<compile_context>
chip_gen: v7x
topology: tpu7x:2x2x1
jax: 0.10.2.dev20260603
libtpu: 0.0.44.dev20260713+nightly
codegen_flags: <defaults>
</compile_context>

<pallas_src>
import functools

import jax
import jax.numpy as jnp
from jax import lax
from jax.experimental import pallas as pl
from jax.experimental.pallas import tpu as pltpu
from jax.experimental.pallas import tpu_sc as plsc

_VOCAB = 1000000
_D = 64
_B = 4096
_NSENT = 5
_LSEQ = 50

_NC, _NSUB = 2, 16
_NW = _NC * _NSUB
_SEGS = _B * _NSENT
_ROWS = _SEGS * _LSEQ
_SEGS_PER_W = _SEGS // _NW
_ROWS_PER_W = _ROWS // _NW
_CHUNK_SEGS = 8
_CHUNK_ROWS = _CHUNK_SEGS * _LSEQ
_N_CHUNKS = _SEGS_PER_W // _CHUNK_SEGS



def _sc_segment_sums(table, flat_idx):
    mesh = plsc.VectorSubcoreMesh(core_axis_name="c", subcore_axis_name="s")

    @functools.partial(
        pl.kernel,
        out_type=jax.ShapeDtypeStruct((_SEGS, _D), jnp.float32),
        mesh=mesh,
        scratch_types=[
            pltpu.VMEM((_ROWS_PER_W,), jnp.int32),
            pltpu.VMEM((_CHUNK_ROWS, _D), jnp.float32),
            pltpu.VMEM((_CHUNK_ROWS, _D), jnp.float32),
            pltpu.VMEM((_SEGS_PER_W, _D), jnp.float32),
            pltpu.SemaphoreType.DMA,
            pltpu.SemaphoreType.DMA,
        ],
        compiler_params=pltpu.CompilerParams(use_tc_tiling_on_sc=False),
    )
    def sums_kernel(table_hbm, idx_hbm, out_hbm, idx_v, rows0, rows1, acc_v,
                    sem0, sem1):
        wid = lax.axis_index("s") * _NC + lax.axis_index("c")
        pltpu.sync_copy(idx_hbm.at[pl.ds(wid * _ROWS_PER_W, _ROWS_PER_W)], idx_v)

        def start_gather(c, rows, sem):
            return pltpu.async_copy(
                table_hbm.at[idx_v.at[pl.ds(c * _CHUNK_ROWS, _CHUNK_ROWS)]],
                rows, sem,
            )

        def wait_slot0():
            pltpu.make_async_copy(
                table_hbm.at[pl.ds(0, _CHUNK_ROWS)], rows0, sem0
            ).wait()

        def accumulate(rows, c):
            def seg_body(s, carry2):
                def row_body(r, accs):
                    b = s * _LSEQ + r
                    return tuple(
                        accs[k] + rows[b, pl.ds(16 * k, 16)] for k in range(4)
                    )

                z = jnp.zeros((16,), jnp.float32)
                a = lax.fori_loop(0, _LSEQ, row_body, (z, z, z, z), unroll=25)
                for k in range(4):
                    acc_v[c * _CHUNK_SEGS + s, pl.ds(16 * k, 16)] = a[k]
                return carry2

            lax.fori_loop(0, _CHUNK_SEGS, seg_body, 0)

        start_gather(0, rows0, sem0)

        def pair_body(c2, carry):
            c0 = 2 * c2
            d1 = start_gather(c0 + 1, rows1, sem1)
            wait_slot0()
            accumulate(rows0, c0)

            @pl.when(c2 < _N_CHUNKS // 2 - 1)
            def _():
                start_gather(c0 + 2, rows0, sem0)

            d1.wait()
            accumulate(rows1, c0 + 1)
            return carry

        lax.fori_loop(0, _N_CHUNKS // 2, pair_body, 0)
        pltpu.sync_copy(acc_v, out_hbm.at[pl.ds(wid * _SEGS_PER_W, _SEGS_PER_W)])

    return sums_kernel(table, flat_idx)


def _tc_finish(sums):

    def body(x_ref, cos_ref, pred_ref):
        x = x_ref[...] * (1.0 / _LSEQ)
        anchor = x[0:_B]
        a2 = jnp.sum(anchor * anchor, axis=-1, keepdims=True)
        nums = []
        o2s = []
        for k in range(1, _NSENT):
            o = x[k * _B : (k + 1) * _B]
            nums.append(jnp.sum(anchor * o, axis=-1, keepdims=True))
            o2s.append(jnp.sum(o * o, axis=-1, keepdims=True))
        num = jnp.concatenate(nums, axis=1)
        on = jnp.sqrt(jnp.concatenate(o2s, axis=1))
        an = jnp.sqrt(a2)
        cos = num / (an * on + 1e-8)
        cos_ref[...] = cos
        m = jnp.max(cos, axis=1, keepdims=True)
        e = jnp.exp(cos - m)
        pred_ref[...] = e / jnp.sum(e, axis=1, keepdims=True)

    return pl.pallas_call(
        body,
        out_shape=(
            jax.ShapeDtypeStruct((_B, _NSENT - 1), jnp.float32),
            jax.ShapeDtypeStruct((_B, _NSENT - 1), jnp.float32),
        ),
    )(sums)


def kernel(inputs, table):
    flat_idx = inputs.transpose(1, 0, 2).reshape(-1)
    sums = _sc_segment_sums(table, flat_idx)
    return _tc_finish(sums)

# --- scband reference (transcript-rebuilt; emitter-appended) ---
"""Pipeline reference for scband-siaseme-cbow-10204842295815 (READ-ONLY COPY).

The authoritative reference and input builder live on the scoring server;
editing this copy changes nothing except your own understanding.
"""

import jax, jax.numpy as jnp
import numpy as np

VOCAB = 1000000
EMBED_DIM = 64
BATCH = 4096
N_SENT = 5  # 1 anchor + 2 positive + 2 negative
SEQ_LEN = 50


def setup_inputs(seed: int = 0) -> dict:
    key = jax.random.key(seed)
    k1, k2 = jax.random.split(key)
    inputs = jax.random.randint(k1, (BATCH, N_SENT, SEQ_LEN), 0, VOCAB, dtype=jnp.int32)
    # learned embedding table per init_kwargs {input_dim: VOCAB, output_dim: EMBED_DIM}
    table = jax.random.normal(k2, (VOCAB, EMBED_DIM), dtype=jnp.float32) * 0.02
    return {"inputs": inputs, "table": table}


def reference(inputs, table):
    # Embedding lookup: [B, N_SENT, L] -> [B, N_SENT, L, D]
    w = jnp.take(table, inputs, axis=0)
    # Dropout is identity in eval mode.
    # Average over sequence length: [B, N_SENT, D]
    ave_s = jnp.mean(w, axis=2)
    # CosineLayer: cosine similarity between anchor sentence (index 0)
    # and the n_positive + n_negative other sentences -> [B, N_SENT-1]
    anchor = ave_s[:, 0, :]
    others = ave_s[:, 1:, :]
    eps = 1e-8
    num = jnp.sum(anchor[:, None, :] * others, axis=-1)
    denom = jnp.linalg.norm(anchor, axis=-1)[:, None] * jnp.linalg.norm(others, axis=-1)
    cos = num / (denom + eps)
    predict = jax.nn.softmax(cos, axis=-1)
    return (cos, predict)

if __name__ == "__main__":
    import jax
    _d = setup_inputs()
    print(jax.jit(kernel)(*tuple(_d.values())))

</pallas_src>

<mosaic_0001>
#map = affine_map<(d0, d1) -> (0, 0)>
#map1 = affine_map<(d0, d1) -> (0)>
module attributes {stable_mosaic.version = 14 : i64} {
  func.func @sums_kernel(%arg0: i32, %arg1: i32, %arg2: memref<1000000x64xf32, #tpu.memory_space<hbm>>, %arg3: memref<1024000xi32, #tpu.memory_space<hbm>>, %arg4: memref<20480x64xf32, #tpu.memory_space<hbm>>, %arg5: memref<32000xi32, #tpu.memory_space<vmem>>, %arg6: memref<400x64xf32, #tpu.memory_space<vmem>>, %arg7: memref<400x64xf32, #tpu.memory_space<vmem>>, %arg8: memref<640x64xf32, #tpu.memory_space<vmem>>, %arg9: memref<!tpu.dma_semaphore, #tpu.memory_space<semaphore_mem>>, %arg10: memref<!tpu.dma_semaphore, #tpu.memory_space<semaphore_mem>>) attributes {dimension_semantics = [#tpu.dimension_semantics<core_parallel>, #tpu.dimension_semantics<subcore_parallel>], iteration_bounds = array<i64: 2, 16>, scalar_prefetch = 0 : i64, scratch_operands = 6 : i64, tpu.core_type = #tpu.core_type<sc_vector_subcore>, window_params = [{transform_indices = #map}, {transform_indices = #map1}, {transform_indices = #map}]} {
    %mul3A = arith.constant 2 : i32
    %mul3A_0 = arith.muli %arg1, %mul3A : i32
    %add3A = arith.addi %mul3A_0, %arg0 : i32
    %mul3A_1 = arith.constant 32000 : i32
    %mul3A_2 = arith.muli %add3A, %mul3A_1 : i32
    "tpu.region"() ({
      %run_scoped3A = tpu.sem_alloc : memref<!tpu.dma_semaphore, #tpu.memory_space<semaphore_mem>>
      %dma_start3A_14 = tpu.memref_slice %arg3[%mul3A_2] : memref<1024000xi32, #tpu.memory_space<hbm>> -> memref<32000xi32, #tpu.memory_space<hbm>>
      %dma_start3A_15 = tpu.memref_slice %arg3[%mul3A_2] : memref<1024000xi32, #tpu.memory_space<hbm>> -> memref<32000xi32, #tpu.memory_space<hbm>>
      tpu.enqueue_dma source(%dma_start3A_15 : memref<32000xi32, #tpu.memory_space<hbm>>) target(%arg5 : memref<32000xi32, #tpu.memory_space<vmem>>) target_semaphore(%run_scoped3A : memref<!tpu.dma_semaphore, #tpu.memory_space<semaphore_mem>>)
      %dma_wait3A = tpu.memref_slice %arg3[%mul3A_2] : memref<1024000xi32, #tpu.memory_space<hbm>> -> memref<32000xi32, #tpu.memory_space<hbm>>
      %dma_wait3A_16 = tpu.memref_slice %arg3[%mul3A_2] : memref<1024000xi32, #tpu.memory_space<hbm>> -> memref<32000xi32, #tpu.memory_space<hbm>>
      tpu.wait_dma2 semaphore(%run_scoped3A : memref<!tpu.dma_semaphore, #tpu.memory_space<semaphore_mem>>) src(%dma_wait3A_16 : memref<32000xi32, #tpu.memory_space<hbm>>) dst(%arg5 : memref<32000xi32, #tpu.memory_space<vmem>>)
      tpu.yield
    }) : () -> ()
    %dma_start3A = arith.constant 0 : i32
    %dma_start3A_3 = tpu.memref_slice %arg5[%dma_start3A] : memref<32000xi32, #tpu.memory_space<vmem>> -> memref<400xi32, #tpu.memory_space<vmem>>
    %dma_start3A_4 = arith.constant 0 : i32
    %dma_start3A_5 = arith.constant 0 : i32
    %dma_start3A_6 = tpu.memref_slice %arg2[%dma_start3A_4, %dma_start3A_5] : memref<1000000x64xf32, #tpu.memory_space<hbm>> -> memref<1000000x64xf32, #tpu.memory_space<hbm>>
    tpu.enqueue_indirect_dma source(%dma_start3A_6 : memref<1000000x64xf32, #tpu.memory_space<hbm>>) target(%arg6 : memref<400x64xf32, #tpu.memory_space<vmem>>) offsets(%dma_start3A_3 : memref<400xi32, #tpu.memory_space<vmem>>) semaphore(%arg9 : memref<!tpu.dma_semaphore, #tpu.memory_space<semaphore_mem>>)
    %scan3A = arith.constant 0 : i32
    %scan3A_7 = arith.constant 0 : i32
    %scan3A_8 = arith.constant 40 : i32
    %scan3A_9 = arith.addi %scan3A_7, %scan3A_8 : i32
    %scan3A_10 = arith.constant 1 : i32
    scf.for %scan3A_14 = %scan3A_7 to %scan3A_9 step %scan3A_10  : i32 {
      %mul3A_15 = arith.constant 2 : i32
      %mul3A_16 = arith.muli %mul3A_15, %scan3A_14 : i32
      %add3A_17 = arith.constant 1 : i32
      %add3A_18 = arith.addi %mul3A_16, %add3A_17 : i32
      %mul3A_19 = arith.constant 400 : i32
      %mul3A_20 = arith.muli %add3A_18, %mul3A_19 : i32
      %dma_start3A_21 = tpu.memref_slice %arg5[%mul3A_20] : memref<32000xi32, #tpu.memory_space<vmem>> -> memref<400xi32, #tpu.memory_space<vmem>>
      %dma_start3A_22 = arith.constant 0 : i32
      %dma_start3A_23 = arith.constant 0 : i32
      %dma_start3A_24 = tpu.memref_slice %arg2[%dma_start3A_22, %dma_start3A_23] : memref<1000000x64xf32, #tpu.memory_space<hbm>> -> memref<1000000x64xf32, #tpu.memory_space<hbm>>
      tpu.enqueue_indirect_dma source(%dma_start3A_24 : memref<1000000x64xf32, #tpu.memory_space<hbm>>) target(%arg7 : memref<400x64xf32, #tpu.memory_space<vmem>>) offsets(%dma_start3A_21 : memref<400xi32, #tpu.memory_space<vmem>>) semaphore(%arg10 : memref<!tpu.dma_semaphore, #tpu.memory_space<semaphore_mem>>)
      %dma_wait3A = arith.constant 0 : i32
      %dma_wait3A_25 = arith.constant 0 : i32
      %dma_wait3A_26 = tpu.memref_slice %arg2[%dma_wait3A, %dma_wait3A_25] : memref<1000000x64xf32, #tpu.memory_space<hbm>> -> memref<400x64xf32, #tpu.memory_space<hbm>>
      %dma_wait3A_27 = arith.constant 0 : i32
      %dma_wait3A_28 = arith.constant 0 : i32
      %dma_wait3A_29 = tpu.memref_slice %arg2[%dma_wait3A_27, %dma_wait3A_28] : memref<1000000x64xf32, #tpu.memory_space<hbm>> -> memref<400x64xf32, #tpu.memory_space<hbm>>
      tpu.wait_dma2 semaphore(%arg9 : memref<!tpu.dma_semaphore, #tpu.memory_space<semaphore_mem>>) src(%dma_wait3A_29 : memref<400x64xf32, #tpu.memory_space<hbm>>) dst(%arg6 : memref<400x64xf32, #tpu.memory_space<vmem>>)
      %scan3A_30 = arith.constant 0 : i32
      %scan3A_31 = arith.constant 0 : i32
      %scan3A_32 = arith.constant 8 : i32
      %scan3A_33 = arith.addi %scan3A_31, %scan3A_32 : i32
      %scan3A_34 = arith.constant 1 : i32
      scf.for %scan3A_50 = %scan3A_31 to %scan3A_33 step %scan3A_34  : i32 {
        %broadcast_in_dim3A = arith.constant 0.000000e+00 : f32
        %broadcast_in_dim3A_51 = vector.broadcast %broadcast_in_dim3A : f32 to vector<16xf32>
        %scan3A_52 = arith.constant 0 : i32
        %scan3A_53 = arith.constant 50 : i32
        %scan3A_54 = arith.addi %scan3A_52, %scan3A_53 : i32
        %scan3A_55 = arith.constant 25 : i32
        %scan3A_56:4 = scf.for %scan3A_89 = %scan3A_52 to %scan3A_54 step %scan3A_55 iter_args(%scan3A_90 = %broadcast_in_dim3A_51, %scan3A_91 = %broadcast_in_dim3A_51, %scan3A_92 = %broadcast_in_dim3A_51, %scan3A_93 = %broadcast_in_dim3A_51) -> (vector<16xf32>, vector<16xf32>, vector<16xf32>, vector<16xf32>)  : i32 {
          %mul3A_94 = arith.constant 50 : i32
          %mul3A_95 = arith.muli %scan3A_50, %mul3A_94 : i32
          %add3A_96 = arith.addi %mul3A_95, %scan3A_89 : i32
          %get3A = arith.index_cast %add3A_96 : i32 to index
          %get3A_97 = arith.constant 0 : index
          %get3A_98 = tpu.vector_load %arg6[%get3A, %get3A_97] {strides = array<i32>} : memref<400x64xf32, #tpu.memory_space<vmem>>, vector<1x16xf32>,
          %get3A_99 = vector.shape_cast %get3A_98 : vector<1x16xf32> to vector<16xf32>
          %add3A_100 = arith.addf %scan3A_90, %get3A_99 : vector<16xf32>
          %get3A_101 = arith.index_cast %add3A_96 : i32 to index
          %get3A_102 = arith.constant 16 : index
          %get3A_103 = tpu.vector_load %arg6[%get3A_101, %get3A_102] {strides = array<i32>} : memref<400x64xf32, #tpu.memory_space<vmem>>, vector<1x16xf32>,
          %get3A_104 = vector.shape_cast %get3A_103 : vector<1x16xf32> to vector<16xf32>
          %add3A_105 = arith.addf %scan3A_91, %get3A_104 : vector<16xf32>
          %get3A_106 = arith.index_cast %add3A_96 : i32 to index
          %get3A_107 = arith.constant 32 : index
          %get3A_108 = tpu.vector_load %arg6[%get3A_106, %get3A_107] {strides = array<i32>} : memref<400x64xf32, #tpu.memory_space<vmem>>, vector<1x16xf32>,
          %get3A_109 = vector.shape_cast %get3A_108 : vector<1x16xf32> to vector<16xf32>
          %add3A_110 = arith.addf %scan3A_92, %get3A_109 : vector<16xf32>
          %get3A_111 = arith.index_cast %add3A_96 : i32 to index
          %get3A_112 = arith.constant 48 : index
          %get3A_113 = tpu.vector_load %arg6[%get3A_111, %get3A_112] {strides = array<i32>} : memref<400x64xf32, #tpu.memory_space<vmem>>, vector<1x16xf32>,
          %get3A_114 = vector.shape_cast %get3A_113 : vector<1x16xf32> to vector<16xf32>
          %add3A_115 = arith.addf %scan3A_93, %get3A_114 : vector<16xf32>
          %scan3A_116 = arith.constant 1 : i32
          %scan3A_117 = arith.addi %scan3A_89, %scan3A_116 : i32
          %mul3A_118 = arith.constant 50 : i32
          %mul3A_119 = arith.muli %scan3A_50, %mul3A_118 : i32
          %add3A_120 = arith.addi %mul3A_119, %scan3A_117 : i32
          %get3A_121 = arith.index_cast %add3A_120 : i32 to index
          %get3A_122 = arith.constant 0 : index
          %get3A_123 = tpu.vector_load %arg6[%get3A_121, %get3A_122] {strides = array<i32>} : memref<400x64xf32, #tpu.memory_space<vmem>>, vector<1x16xf32>,
          %get3A_124 = vector.shape_cast %get3A_123 : vector<1x16xf32> to vector<16xf32>
          %add3A_125 = arith.addf %add3A_100, %get3A_124 : vector<16xf32>
          %get3A_126 = arith.index_cast %add3A_120 : i32 to index
          %get3A_127 = arith.constant 16 : index
          %get3A_128 = tpu.vector_load %arg6[%get3A_126, %get3A_127] {strides = array<i32>} : memref<400x64xf32, #tpu.memory_space<vmem>>, vector<1x16xf32>,
          %get3A_129 = vector.shape_cast %get3A_128 : vector<1x16xf32> to vector<16xf32>
          %add3A_130 = arith.addf %add3A_105, %get3A_129 : vector<16xf32>
          %get3A_131 = arith.index_cast %add3A_120 : i32 to index
          %get3A_132 = arith.constant 32 : index
          %get3A_133 = tpu.vector_load %arg6[%get3A_131, %get3A_132] {strides = array<i32>} : memref<400x64xf32, #tpu.memory_space<vmem>>, vector<1x16xf32>,
          %get3A_134 = vector.shape_cast %get3A_133 : vector<1x16xf32> to vector<16xf32>
          %add3A_135 = arith.addf %add3A_110, %get3A_134 : vector<16xf32>
          %get3A_136 = arith.index_cast %add3A_120 : i32 to index
          %get3A_137 = arith.constant 48 : index
          %get3A_138 = tpu.vector_load %arg6[%get3A_136, %get3A_137] {strides = array<i32>} : memref<400x64xf32, #tpu.memory_space<vmem>>, vector<1x16xf32>,
          %get3A_139 = vector.shape_cast %get3A_138 : vector<1x16xf32> to vector<16xf32>
          %add3A_140 = arith.addf %add3A_115, %get3A_139 : vector<16xf32>
          %scan3A_141 = arith.constant 2 : i32
          %scan3A_142 = arith.addi %scan3A_89, %scan3A_141 : i32
          %mul3A_143 = arith.constant 50 : i32
          %mul3A_144 = arith.muli %scan3A_50, %mul3A_143 : i32
          %add3A_145 = arith.addi %mul3A_144, %scan3A_142 : i32
          %get3A_146 = arith.index_cast %add3A_145 : i32 to index
          %get3A_147 = arith.constant 0 : index
          %get3A_148 = tpu.vector_load %arg6[%get3A_146, %get3A_147] {strides = array<i32>} : memref<400x64xf32, #tpu.memory_space<vmem>>, vector<1x16xf32>,
          %get3A_149 = vector.shape_cast %get3A_148 : vector<1x16xf32> to vector<16xf32>
          %add3A_150 = arith.addf %add3A_125, %get3A_149 : vector<16xf32>
          %get3A_151 = arith.index_cast %add3A_145 : i32 to index
          %get3A_152 = arith.constant 16 : index
          %get3A_153 = tpu.vector_load %arg6[%get3A_151, %get3A_152] {strides = array<i32>} : memref<400x64xf32, #tpu.memory_space<vmem>>, vector<1x16xf32>,
          %get3A_154 = vector.shape_cast %get3A_153 : vector<1x16xf32> to vector<16xf32>
          %add3A_155 = arith.addf %add3A_130, %get3A_154 : vector<16xf32>
          %get3A_156 = arith.index_cast %add3A_145 : i32 to index
          %get3A_157 = arith.constant 32 : index
          %get3A_158 = tpu.vector_load %arg6[%get3A_156, %get3A_157] {strides = array<i32>} : memref<400x64xf32, #tpu.memory_space<vmem>>, vector<1x16xf32>,
          %get3A_159 = vector.shape_cast %get3A_158 : vector<1x16xf32> to vector<16xf32>
          %add3A_160 = arith.addf %add3A_135, %get3A_159 : vector<16xf32>
          %get3A_161 = arith.index_cast %add3A_145 : i32 to index
          %get3A_162 = arith.constant 48 : index
          %get3A_163 = tpu.vector_load %arg6[%get3A_161, %get3A_162] {strides = array<i32>} : memref<400x64xf32, #tpu.memory_space<vmem>>, vector<1x16xf32>,
          %get3A_164 = vector.shape_cast %get3A_163 : vector<1x16xf32> to vector<16xf32>
          %add3A_165 = arith.addf %add3A_140, %get3A_164 : vector<16xf32>
          %scan3A_166 = arith.constant 3 : i32
          %scan3A_167 = arith.addi %scan3A_89, %scan3A_166 : i32
          %mul3A_168 = arith.constant 50 : i32
          %mul3A_169 = arith.muli %scan3A_50, %mul3A_168 : i32
          %add3A_170 = arith.addi %mul3A_169, %scan3A_167 : i32
          %get3A_171 = arith.index_cast %add3A_170 : i32 to index
          %get3A_172 = arith.constant 0 : index
          %get3A_173 = tpu.vector_load %arg6[%get3A_171, %get3A_172] {strides = array<i32>} : memref<400x64xf32, #tpu.memory_space<vmem>>, vector<1x16xf32>,
          %get3A_174 = vector.shape_cast %get3A_173 : vector<1x16xf32> to vector<16xf32>
          %add3A_175 = arith.addf %add3A_150, %get3A_174 : vector<16xf32>
          %get3A_176 = arith.index_cast %add3A_170 : i32 to index
          %get3A_177 = arith.constant 16 : index
          %get3A_178 = tpu.vector_load %arg6[%get3A_176, %get3A_177] {strides = array<i32>} : memref<400x64xf32, #tpu.memory_space<vmem>>, vector<1x16xf32>,
          %get3A_179 = vector.shape_cast %get3A_178 : vector<1x16xf32> to vector<16xf32>
          %add3A_180 = arith.addf %add3A_155, %get3A_179 : vector<16xf32>
          %get3A_181 = arith.index_cast %add3A_170 : i32 to index
          %get3A_182 = arith.constant 32 : index
          %get3A_183 = tpu.vector_load %arg6[%get3A_181, %get3A_182] {strides = array<i32>} : memref<400x64xf32, #tpu.memory_space<vmem>>, vector<1x16xf32>,
          %get3A_184 = vector.shape_cast %get3A_183 : vector<1x16xf32> to vector<16xf32>
          %add3A_185 = arith.addf %add3A_160, %get3A_184 : vector<16xf32>
          %get3A_186 = arith.index_cast %add3A_170 : i32 to index
          %get3A_187 = arith.constant 48 : index
          %get3A_188 = tpu.vector_load %arg6[%get3A_186, %get3A_187] {strides = array<i32>} : memref<400x64xf32, #tpu.memory_space<vmem>>, vector<1x16xf32>,
          %get3A_189 = vector.shape_cast %get3A_188 : vector<1x16xf32> to vector<16xf32>
          %add3A_190 = arith.addf %add3A_165, %get3A_189 : vector<16xf32>
          %scan3A_191 = arith.constant 4 : i32
          %scan3A_192 = arith.addi %scan3A_89, %scan3A_191 : i32
          %mul3A_193 = arith.constant 50 : i32
          %mul3A_194 = arith.muli %scan3A_50, %mul3A_193 : i32
          %add3A_195 = arith.addi %mul3A_194, %scan3A_192 : i32
          %get3A_196 = arith.index_cast %add3A_195 : i32 to index
          %get3A_197 = arith.constant 0 : index
          %get3A_198 = tpu.vector_load %arg6[%get3A_196, %get3A_197] {strides = array<i32>} : memref<400x64xf32, #tpu.memory_space<vmem>>, vector<1x16xf32>,
          %get3A_199 = vector.shape_cast %get3A_198 : vector<1x16xf32> to vector<16xf32>
          %add3A_200 = arith.addf %add3A_175, %get3A_199 : vector<16xf32>
          %get3A_201 = arith.index_cast %add3A_195 : i32 to index
          %get3A_202 = arith.constant 16 : index
          %get3A_203 = tpu.vector_load %arg6[%get3A_201, %get3A_202] {strides = array<i32>} : memref<400x64xf32, #tpu.memory_space<vmem>>, vector<1x16xf32>,
          %get3A_204 = vector.shape_cast %get3A_203 : vector<1x16xf32> to vector<16xf32>
          %add3A_205 = arith.addf %add3A_180, %get3A_204 : vector<16xf32>
          %get3A_206 = arith.index_cast %add3A_195 : i32 to index
          %get3A_207 = arith.constant 32 : index
          %get3A_208 = tpu.vector_load %arg6[%get3A_206, %get3A_207] {strides = array<i32>} : memref<400x64xf32, #tpu.memory_space<vmem>>, vector<1x16xf32>,
          %get3A_209 = vector.shape_cast %get3A_208 : vector<1x16xf32> to vector<16xf32>
          %add3A_210 = arith.addf %add3A_185, %get3A_209 : vector<16xf32>
          %get3A_211 = arith.index_cast %add3A_195 : i32 to index
          %get3A_212 = arith.constant 48 : index
          %get3A_213 = tpu.vector_load %arg6[%get3A_211, %get3A_212] {strides = array<i32>} : memref<400x64xf32, #tpu.memory_space<vmem>>, vector<1x16xf32>,
          %get3A_214 = vector.shape_cast %get3A_213 : vector<1x16xf32> to vector<16xf32>
          %add3A_215 = arith.addf %add3A_190, %get3A_214 : vector<16xf32>
          %scan3A_216 = arith.constant 5 : i32
          %scan3A_217 = arith.addi %scan3A_89, %scan3A_216 : i32
          %mul3A_218 = arith.constant 50 : i32
          %mul3A_219 = arith.muli %scan3A_50, %mul3A_218 : i32
          %add3A_220 = arith.addi %mul3A_219, %scan3A_217 : i32
          %get3A_221 = arith.index_cast %add3A_220 : i32 to index
          %get3A_222 = arith.constant 0 : index
          %get3A_223 = tpu.vector_load %arg6[%get3A_221, %get3A_222] {strides = array<i32>} : memref<400x64xf32, #tpu.memory_space<vmem>>, vector<1x16xf32>,
          %get3A_224 = vector.shape_cast %get3A_223 : vector<1x16xf32> to vector<16xf32>
          %add3A_225 = arith.addf %add3A_200, %get3A_224 : vector<16xf32>
          %get3A_226 = arith.index_cast %add3A_220 : i32 to index
          %get3A_227 = arith.constant 16 : index
          %get3A_228 = tpu.vector_load %arg6[%get3A_226, %get3A_227] {strides = array<i32>} : memref<400x64xf32, #tpu.memory_space<vmem>>, vector<1x16xf32>,
          %get3A_229 = vector.shape_cast %get3A_228 : vector<1x16xf32> to vector<16xf32>
          %add3A_230 = arith.addf %add3A_205, %get3A_229 : vector<16xf32>
          %get3A_231 = arith.index_cast %add3A_220 : i32 to index
          %get3A_232 = arith.constant 32 : index
          %get3A_233 = tpu.vector_load %arg6[%get3A_231, %get3A_232] {strides = array<i32>} : memref<400x64xf32, #tpu.memory_space<vmem>>, vector<1x16xf32>,
          %get3A_234 = vector.shape_cast %get3A_233 : vector<1x16xf32> to vector<16xf32>
          %add3A_235 = arith.addf %add3A_210, %get3A_234 : vector<16xf32>
          %get3A_236 = arith.index_cast %add3A_220 : i32 to index
          %get3A_237 = arith.constant 48 : index
          %get3A_238 = tpu.vector_load %arg6[%get3A_236, %get3A_237] {strides = array<i32>} : memref<400x64xf32, #tpu.memory_space<vmem>>, vector<1x16xf32>,
          %get3A_239 = vector.shape_cast %get3A_238 : vector<1x16xf32> to vector<16xf32>
          %add3A_240 = arith.addf %add3A_215, %get3A_239 : vector<16xf32>
          %scan3A_241 = arith.constant 6 : i32
          %scan3A_242 = arith.addi %scan3A_89, %scan3A_241 : i32
          %mul3A_243 = arith.constant 50 : i32
          %mul3A_244 = arith.muli %scan3A_50, %mul3A_243 : i32
          %add3A_245 = arith.addi %mul3A_244, %scan3A_242 : i32
          %get3A_246 = arith.index_cast %add3A_245 : i32 to index
          %get3A_247 = arith.constant 0 : index
          %get3A_248 = tpu.vector_load %arg6[%get3A_246, %get3A_247] {strides = array<i32>} : memref<400x64xf32, #tpu.memory_space<vmem>>, vector<1x16xf32>,
          %get3A_249 = vector.shape_cast %get3A_248 : vector<1x16xf32> to vector<16xf32>
          %add3A_250 = arith.addf %add3A_225, %get3A_249 : vector<16xf32>
          %get3A_251 = arith.index_cast %add3A_245 : i32 to index
          %get3A_252 = arith.constant 16 : index
          %get3A_253 = tpu.vector_load %arg6[%get3A_251, %get3A_252] {strides = array<i32>} : memref<400x64xf32, #tpu.memory_space<vmem>>, vector<1x16xf32>,
          %get3A_254 = vector.shape_cast %get3A_253 : vector<1x16xf32> to vector<16xf32>
          %add3A_255 = arith.addf %add3A_230, %get3A_254 : vector<16xf32>
          %get3A_256 = arith.index_cast %add3A_245 : i32 to index
          %get3A_257 = arith.constant 32 : index
          %get3A_258 = tpu.vector_load %arg6[%get3A_256, %get3A_257] {strides = array<i32>} : memref<400x64xf32, #tpu.memory_space<vmem>>, vector<1x16xf32>,
          %get3A_259 = vector.shape_cast %get3A_258 : vector<1x16xf32> to vector<16xf32>
          %add3A_260 = arith.addf %add3A_235, %get3A_259 : vector<16xf32>
          %get3A_261 = arith.index_cast %add3A_245 : i32 to index
          %get3A_262 = arith.constant 48 : index
          %get3A_263 = tpu.vector_load %arg6[%get3A_261, %get3A_262] {strides = array<i32>} : memref<400x64xf32, #tpu.memory_space<vmem>>, vector<1x16xf32>,
          %get3A_264 = vector.shape_cast %get3A_263 : vector<1x16xf32> to vector<16xf32>
          %add3A_265 = arith.addf %add3A_240, %get3A_264 : vector<16xf32>
          %scan3A_266 = arith.constant 7 : i32
          %scan3A_267 = arith.addi %scan3A_89, %scan3A_266 : i32
          %mul3A_268 = arith.constant 50 : i32
          %mul3A_269 = arith.muli %scan3A_50, %mul3A_268 : i32
          %add3A_270 = arith.addi %mul3A_269, %scan3A_267 : i32
          %get3A_271 = arith.index_cast %add3A_270 : i32 to index
          %get3A_272 = arith.constant 0 : index
          %get3A_273 = tpu.vector_load %arg6[%get3A_271, %get3A_272] {strides = array<i32>} : memref<400x64xf32, #tpu.memory_space<vmem>>, vector<1x16xf32>,
          %get3A_274 = vector.shape_cast %get3A_273 : vector<1x16xf32> to vector<16xf32>
          %add3A_275 = arith.addf %add3A_250, %get3A_274 : vector<16xf32>
          %get3A_276 = arith.index_cast %add3A_270 : i32 to index
          %get3A_277 = arith.constant 16 : index
          %get3A_278 = tpu.vector_load %arg6[%get3A_276, %get3A_277] {strides = array<i32>} : memref<400x64xf32, #tpu.memory_space<vmem>>, vector<1x16xf32>,
          %get3A_279 = vector.shape_cast %get3A_278 : vector<1x16xf32> to vector<16xf32>
          %add3A_280 = arith.addf %add3A_255, %get3A_279 : vector<16xf32>
          %get3A_281 = arith.index_cast %add3A_270 : i32 to index
          %get3A_282 = arith.constant 32 : index
          %get3A_283 = tpu.vector_load %arg6[%get3A_281, %get3A_282] {strides = array<i32>} : memref<400x64xf32, #tpu.memory_space<vmem>>, vector<1x16xf32>,
          %get3A_284 = vector.shape_cast %get3A_283 : vector<1x16xf32> to vector<16xf32>
          %add3A_285 = arith.addf %add3A_260, %get3A_284 : vector<16xf32>
          %get3A_286 = arith.index_cast %add3A_270 : i32 to index
          %get3A_287 = arith.constant 48 : index
          %get3A_288 = tpu.vector_load %arg6[%get3A_286, %get3A_287] {strides = array<i32>} : memref<400x64xf32, #tpu.memory_space<vmem>>, vector<1x16xf32>,
          %get3A_289 = vector.shape_cast %get3A_288 : vector<1x16xf32> to vector<16xf32>
          %add3A_290 = arith.addf %add3A_265, %get3A_289 : vector<16xf32>
          %scan3A_291 = arith.constant 8 : i32
          %scan3A_292 = arith.addi %scan3A_89, %scan3A_291 : i32
          %mul3A_293 = arith.constant 50 : i32
          %mul3A_294 = arith.muli %scan3A_50, %mul3A_293 : i32
          %add3A_295 = arith.addi %mul3A_294, %scan3A_292 : i32
          %get3A_296 = arith.index_cast %add3A_295 : i32 to index
          %get3A_297 = arith.constant 0 : index
          %get3A_298 = tpu.vector_load %arg6[%get3A_296, %get3A_297] {strides = array<i32>} : memref<400x64xf32, #tpu.memory_space<vmem>>, vector<1x16xf32>,
          %get3A_299 = vector.shape_cast %get3A_298 : vector<1x16xf32> to vector<16xf32>
          %add3A_300 = arith.addf %add3A_275, %get3A_299 : vector<16xf32>
          %get3A_301 = arith.index_cast %add3A_295 : i32 to index
          %get3A_302 = arith.constant 16 : index
          %get3A_303 = tpu.vector_load %arg6[%get3A_301, %get3A_302] {strides = array<i32>} : memref<400x64xf32, #tpu.memory_space<vmem>>, vector<1x16xf32>,
          %get3A_304 = vector.shape_cast %get3A_303 : vector<1x16xf32> to vector<16xf32>
          %add3A_305 = arith.addf %add3A_280, %get3A_304 : vector<16xf32>
          %get3A_306 = arith.index_cast %add3A_295 : i32 to index
          %get3A_307 = arith.constant 32 : index
          %get3A_308 = tpu.vector_load %arg6[%get3A_306, %get3A_307] {strides = array<i32>} : memref<400x64xf32, #tpu.memory_space<vmem>>, vector<1x16xf32>,
          %get3A_309 = vector.shape_cast %get3A_308 : vector<1x16xf32> to vector<16xf32>
          %add3A_310 = arith.addf %add3A_285, %get3A_309 : vector<16xf32>
          %get3A_311 = arith.index_cast %add3A_295 : i32 to index
          %get3A_312 = arith.constant 48 : index
          %get3A_313 = tpu.vector_load %arg6[%get3A_311, %get3A_312] {strides = array<i32>} : memref<400x64xf32, #tpu.memory_space<vmem>>, vector<1x16xf32>,
          %get3A_314 = vector.shape_cast %get3A_313 : vector<1x16xf32> to vector<16xf32>
          %add3A_315 = arith.addf %add3A_290, %get3A_314 : vector<16xf32>
          %scan3A_316 = arith.constant 9 : i32
          %scan3A_317 = arith.addi %scan3A_89, %scan3A_316 : i32
          %mul3A_318 = arith.constant 50 : i32
          %mul3A_319 = arith.muli %scan3A_50, %mul3A_318 : i32
          %add3A_320 = arith.addi %mul3A_319, %scan3A_317 : i32
          %get3A_321 = arith.index_cast %add3A_320 : i32 to index
          %get3A_322 = arith.constant 0 : index
          %get3A_323 = tpu.vector_load %arg6[%get3A_321, %get3A_322] {strides = array<i32>} : memref<400x64xf32, #tpu.memory_space<vmem>>, vector<1x16xf32>,
          %get3A_324 = vector.shape_cast %get3A_323 : vector<1x16xf32> to vector<16xf32>
          %add3A_325 = arith.addf %add3A_300, %get3A_324 : vector<16xf32>
          %get3A_326 = arith.index_cast %add3A_320 : i32 to index
          %get3A_327 = arith.constant 16 : index
          %get3A_328 = tpu.vector_load %arg6[%get3A_326, %get3A_327] {strides = array<i32>} : memref<400x64xf32, #tpu.memory_space<vmem>>, vector<1x16xf32>,
          %get3A_329 = vector.shape_cast %get3A_328 : vector<1x16xf32> to vector<16xf32>
          %add3A_330 = arith.addf %add3A_305, %get3A_329 : vector<16xf32>
          %get3A_331 = arith.index_cast %add3A_320 : i32 to index
          %get3A_332 = arith.constant 32 : index
          %get3A_333 = tpu.vector_load %arg6[%get3A_331, %get3A_332] {strides = array<i32>} : memref<400x64xf32, #tpu.memory_space<vmem>>, vector<1x16xf32>,
          %get3A_334 = vector.shape_cast %get3A_333 : vector<1x16xf32> to vector<16xf32>
          %add3A_335 = arith.addf %add3A_310, %get3A_334 : vector<16xf32>
          %get3A_336 = arith.index_cast %add3A_320 : i32 to index
          %get3A_337 = arith.constant 48 : index
          %get3A_338 = tpu.vector_load %arg6[%get3A_336, %get3A_337] {strides = array<i32>} : memref<400x64xf32, #tpu.memory_space<vmem>>, vector<1x16xf32>,
          %get3A_339 = vector.shape_cast %get3A_338 : vector<1x16xf32> to vector<16xf32>
          %add3A_340 = arith.addf %add3A_315, %get3A_339 : vector<16xf32>
          %scan3A_341 = arith.constant 10 : i32
          %scan3A_342 = arith.addi %scan3A_89, %scan3A_341 : i32
          %mul3A_343 = arith.constant 50 : i32
          %mul3A_344 = arith.muli %scan3A_50, %mul3A_343 : i32
          %add3A_345 = arith.addi %mul3A_344, %scan3A_342 : i32
          %get3A_346 = arith.index_cast %add3A_345 : i32 to index
          %get3A_347 = arith.constant 0 : index
          %get3A_348 = tpu.vector_load %arg6[%get3A_346, %get3A_347] {strides = array<i32>} : memref<400x64xf32, #tpu.memory_space<vmem>>, vector<1x16xf32>,
          %get3A_349 = vector.shape_cast %get3A_348 : vector<1x16xf32> to vector<16xf32>
          %add3A_350 = arith.addf %add3A_325, %get3A_349 : vector<16xf32>
          %get3A_351 = arith.index_cast %add3A_345 : i32 to index
          %get3A_352 = arith.constant 16 : index
          %get3A_353 = tpu.vector_load %arg6[%get3A_351, %get3A_352] {strides = array<i32>} : memref<400x64xf32, #tpu.memory_space<vmem>>, vector<1x16xf32>,
          %get3A_354 = vector.shape_cast %get3A_353 : vector<1x16xf32> to vector<16xf32>
          %add3A_355 = arith.addf %add3A_330, %get3A_354 : vector<16xf32>
          %get3A_356 = arith.index_cast %add3A_345 : i32 to index
          %get3A_357 = arith.constant 32 : index
          %get3A_358 = tpu.vector_load %arg6[%get3A_356, %get3A_357] {strides = array<i32>} : memref<400x64xf32, #tpu.memory_space<vmem>>, vector<1x16xf32>,
          %get3A_359 = vector.shape_cast %get3A_358 : vector<1x16xf32> to vector<16xf32>
          %add3A_360 = arith.addf %add3A_335, %get3A_359 : vector<16xf32>
          %get3A_361 = arith.index_cast %add3A_345 : i32 to index
          %get3A_362 = arith.constant 48 : index
          %get3A_363 = tpu.vector_load %arg6[%get3A_361, %get3A_362] {strides = array<i32>} : memref<400x64xf32, #tpu.memory_space<vmem>>, vector<1x16xf32>,
          %get3A_364 = vector.shape_cast %get3A_363 : vector<1x16xf32> to vector<16xf32>
          %add3A_365 = arith.addf %add3A_340, %get3A_364 : vector<16xf32>
          %scan3A_366 = arith.constant 11 : i32
          %scan3A_367 = arith.addi %scan3A_89, %scan3A_366 : i32
          %mul3A_368 = arith.constant 50 : i32
          %mul3A_369 = arith.muli %scan3A_50, %mul3A_368 : i32
          %add3A_370 = arith.addi %mul3A_369, %scan3A_367 : i32
          %get3A_371 = arith.index_cast %add3A_370 : i32 to index
          %get3A_372 = arith.constant 0 : index
          %get3A_373 = tpu.vector_load %arg6[%get3A_371, %get3A_372] {strides = array<i32>} : memref<400x64xf32, #tpu.memory_space<vmem>>, vector<1x16xf32>,
          %get3A_374 = vector.shape_cast %get3A_373 : vector<1x16xf32> to vector<16xf32>
          %add3A_375 = arith.addf %add3A_350, %get3A_374 : vector<16xf32>
          %get3A_376 = arith.index_cast %add3A_370 : i32 to index
          %get3A_377 = arith.constant 16 : index
          %get3A_378 = tpu.vector_load %arg6[%get3A_376, %get3A_377] {strides = array<i32>} : memref<400x64xf32, #tpu.memory_space<vmem>>, vector<1x16xf32>,
          %get3A_379 = vector.shape_cast %get3A_378 : vector<1x16xf32> to vector<16xf32>
          %add3A_380 = arith.addf %add3A_355, %get3A_379 : vector<16xf32>
          %get3A_381 = arith.index_cast %add3A_370 : i32 to index
          %get3A_382 = arith.constant 32 : index
          %get3A_383 = tpu.vector_load %arg6[%get3A_381, %get3A_382] {strides = array<i32>} : memref<400x64xf32, #tpu.memory_space<vmem>>, vector<1x16xf32>,
          %get3A_384 = vector.shape_cast %get3A_383 : vector<1x16xf32> to vector<16xf32>
          %add3A_385 = arith.addf %add3A_360, %get3A_384 : vector<16xf32>
          %get3A_386 = arith.index_cast %add3A_370 : i32 to index
          %get3A_387 = arith.constant 48 : index
          %get3A_388 = tpu.vector_load %arg6[%get3A_386, %get3A_387] {strides = array<i32>} : memref<400x64xf32, #tpu.memory_space<vmem>>, vector<1x16xf32>,
          %get3A_389 = vector.shape_cast %get3A_388 : vector<1x16xf32> to vector<16xf32>
          %add3A_390 = arith.addf %add3A_365, %get3A_389 : vector<16xf32>
          %scan3A_391 = arith.constant 12 : i32
          %scan3A_392 = arith.addi %scan3A_89, %scan3A_391 : i32
          %mul3A_393 = arith.constant 50 : i32
          %mul3A_394 = arith.muli %scan3A_50, %mul3A_393 : i32
          %add3A_395 = arith.addi %mul3A_394, %scan3A_392 : i32
          %get3A_396 = arith.index_cast %add3A_395 : i32 to index
          %get3A_397 = arith.constant 0 : index
          %get3A_398 = tpu.vector_load %arg6[%get3A_396, %get3A_397] {strides = array<i32>} : memref<400x64xf32, #tpu.memory_space<vmem>>, vector<1x16xf32>,
          %get3A_399 = vector.shape_cast %get3A_398 : vector<1x16xf32> to vector<16xf32>
          %add3A_400 = arith.addf %add3A_375, %get3A_399 : vector<16xf32>
          %get3A_401 = arith.index_cast %add3A_395 : i32 to index
          %get3A_402 = arith.constant 16 : index
          %get3A_403 = tpu.vector_load %arg6[%get3A_401, %get3A_402] {strides = array<i32>} : memref<400x64xf32, #tpu.memory_space<vmem>>, vector<1x16xf32>,
          %get3A_404 = vector.shape_cast %get3A_403 : vector<1x16xf32> to vector<16xf32>
          %add3A_405 = arith.addf %add3A_380, %get3A_404 : vector<16xf32>
          %get3A_406 = arith.index_cast %add3A_395 : i32 to index
          %get3A_407 = arith.constant 32 : index
          %get3A_408 = tpu.vector_load %arg6[%get3A_406, %get3A_407] {strides = array<i32>} : memref<400x64xf32, #tpu.memory_space<vmem>>, vector<1x16xf32>,
          %get3A_409 = vector.shape_cast %get3A_408 : vector<1x16xf32> to vector<16xf32>
          %add3A_410 = arith.addf %add3A_385, %get3A_409 : vector<16xf32>
          %get3A_411 = arith.index_cast %add3A_395 : i32 to index
          %get3A_412 = arith.constant 48 : index
          %get3A_413 = tpu.vector_load %arg6[%get3A_411, %get3A_412] {strides = array<i32>} : memref<400x64xf32, #tpu.memory_space<vmem>>, vector<1x16xf32>,
          %get3A_414 = vector.shape_cast %get3A_413 : vector<1x16xf32> to vector<16xf32>
          %add3A_415 = arith.addf %add3A_390, %get3A_414 : vector<16xf32>
          %scan3A_416 = arith.constant 13 : i32
          %scan3A_417 = arith.addi %scan3A_89, %scan3A_416 : i32
          %mul3A_418 = arith.constant 50 : i32
          %mul3A_419 = arith.muli %scan3A_50, %mul3A_418 : i32
          %add3A_420 = arith.addi %mul3A_419, %scan3A_417 : i32
          %get3A_421 = arith.index_cast %add3A_420 : i32 to index
          %get3A_422 = arith.constant 0 : index
          %get3A_423 = tpu.vector_load %arg6[%get3A_421, %get3A_422] {strides = array<i32>} : memref<400x64xf32, #tpu.memory_space<vmem>>, vector<1x16xf32>,
          %get3A_424 = vector.shape_cast %get3A_423 : vector<1x16xf32> to vector<16xf32>
          %add3A_425 = arith.addf %add3A_400, %get3A_424 : vector<16xf32>
          %get3A_426 = arith.index_cast %add3A_420 : i32 to index
          %get3A_427 = arith.constant 16 : index
          %get3A_428 = tpu.vector_load %arg6[%get3A_426, %get3A_427] {strides = array<i32>} : memref<400x64xf32, #tpu.memory_space<vmem>>, vector<1x16xf32>,
          %get3A_429 = vector.shape_cast %get3A_428 : vector<1x16xf32> to vector<16xf32>
          %add3A_430 = arith.addf %add3A_405, %get3A_429 : vector<16xf32>
          %get3A_431 = arith.index_cast %add3A_420 : i32 to index
          %get3A_432 = arith.constant 32 : index
          %get3A_433 = tpu.vector_load %arg6[%get3A_431, %get3A_432] {strides = array<i32>} : memref<400x64xf32, #tpu.memory_space<vmem>>, vector<1x16xf32>,
          %get3A_434 = vector.shape_cast %get3A_433 : vector<1x16xf32> to vector<16xf32>
          %add3A_435 = arith.addf %add3A_410, %get3A_434 : vector<16xf32>
          %get3A_436 = arith.index_cast %add3A_420 : i32 to index
          %get3A_437 = arith.constant 48 : index
          %get3A_438 = tpu.vector_load %arg6[%get3A_436, %get3A_437] {strides = array<i32>} : memref<400x64xf32, #tpu.memory_space<vmem>>, vector<1x16xf32>,
          %get3A_439 = vector.shape_cast %get3A_438 : vector<1x16xf32> to vector<16xf32>
          %add3A_440 = arith.addf %add3A_415, %get3A_439 : vector<16xf32>
          %scan3A_441 = arith.constant 14 : i32
          %scan3A_442 = arith.addi %scan3A_89, %scan3A_441 : i32
          %mul3A_443 = arith.constant 50 : i32
          %mul3A_444 = arith.muli %scan3A_50, %mul3A_443 : i32
          %add3A_445 = arith.addi %mul3A_444, %scan3A_442 : i32
          %get3A_446 = arith.index_cast %add3A_445 : i32 to index
          %get3A_447 = arith.constant 0 : index
          %get3A_448 = tpu.vector_load %arg6[%get3A_446, %get3A_447] {strides = array<i32>} : memref<400x64xf32, #tpu.memory_space<vmem>>, vector<1x16xf32>,
          %get3A_449 = vector.shape_cast %get3A_448 : vector<1x16xf32> to vector<16xf32>
          %add3A_450 = arith.addf %add3A_425, %get3A_449 : vector<16xf32>
          %get3A_451 = arith.index_cast %add3A_445 : i32 to index
          %get3A_452 = arith.constant 16 : index
          %get3A_453 = tpu.vector_load %arg6[%get3A_451, %get3A_452] {strides = array<i32>} : memref<400x64xf32, #tpu.memory_space<vmem>>, vector<1x16xf32>,
          %get3A_454 = vector.shape_cast %get3A_453 : vector<1x16xf32> to vector<16xf32>
          %add3A_455 = arith.addf %add3A_430, %get3A_454 : vector<16xf32>
          %get3A_456 = arith.index_cast %add3A_445 : i32 to index
          %get3A_457 = arith.constant 32 : index
          %get3A_458 = tpu.vector_load %arg6[%get3A_456, %get3A_457] {strides = array<i32>} : memref<400x64xf32, #tpu.memory_space<vmem>>, vector<1x16xf32>,
          %get3A_459 = vector.shape_cast %get3A_458 : vector<1x16xf32> to vector<16xf32>
          %add3A_460 = arith.addf %add3A_435, %get3A_459 : vector<16xf32>
          %get3A_461 = arith.index_cast %add3A_445 : i32 to index
          %get3A_462 = arith.constant 48 : index
          %get3A_463 = tpu.vector_load %arg6[%get3A_461, %get3A_462] {strides = array<i32>} : memref<400x64xf32, #tpu.memory_space<vmem>>, vector<1x16xf32>,
          %get3A_464 = vector.shape_cast %get3A_463 : vector<1x16xf32> to vector<16xf32>
          %add3A_465 = arith.addf %add3A_440, %get3A_464 : vector<16xf32>
          %scan3A_466 = arith.constant 15 : i32
          %scan3A_467 = arith.addi %scan3A_89, %scan3A_466 : i32
          %mul3A_468 = arith.constant 50 : i32
          %mul3A_469 = arith.muli %scan3A_50, %mul3A_468 : i32
          %add3A_470 = arith.addi %mul3A_469, %scan3A_467 : i32
          %get3A_471 = arith.index_cast %add3A_470 : i32 to index
          %get3A_472 = arith.constant 0 : index
          %get3A_473 = tpu.vector_load %arg6[%get3A_471, %get3A_472] {strides = array<i32>} : memref<400x64xf32, #tpu.memory_space<vmem>>, vector<1x16xf32>,
          %get3A_474 = vector.shape_cast %get3A_473 : vector<1x16xf32> to vector<16xf32>
          %add3A_475 = arith.addf %add3A_450, %get3A_474 : vector<16xf32>
          %get3A_476 = arith.index_cast %add3A_470 : i32 to index
          %get3A_477 = arith.constant 16 : index
          %get3A_478 = tpu.vector_load %arg6[%get3A_476, %get3A_477] {strides = array<i32>} : memref<400x64xf32, #tpu.memory_space<vmem>>, vector<1x16xf32>,
          %get3A_479 = vector.shape_cast %get3A_478 : vector<1x16xf32> to vector<16xf32>
          %add3A_480 = arith.addf %add3A_455, %get3A_479 : vector<16xf32>
          %get3A_481 = arith.index_cast %add3A_470 : i32 to index
          %get3A_482 = arith.constant 32 : index
          %get3A_483 = tpu.vector_load %arg6[%get3A_481, %get3A_482] {strides = array<i32>} : memref<400x64xf32, #tpu.memory_space<vmem>>, vector<1x16xf32>,
          %get3A_484 = vector.shape_cast %get3A_483 : vector<1x16xf32> to vector<16xf32>
          %add3A_485 = arith.addf %add3A_460, %get3A_484 : vector<16xf32>
          %get3A_486 = arith.index_cast %add3A_470 : i32 to index
          %get3A_487 = arith.constant 48 : index
          %get3A_488 = tpu.vector_load %arg6[%get3A_486, %get3A_487] {strides = array<i32>} : memref<400x64xf32, #tpu.memory_space<vmem>>, vector<1x16xf32>,
          %get3A_489 = vector.shape_cast %get3A_488 : vector<1x16xf32> to vector<16xf32>
          %add3A_490 = arith.addf %add3A_465, %get3A_489 : vector<16xf32>
          %scan3A_491 = arith.constant 16 : i32
          %scan3A_492 = arith.addi %scan3A_89, %scan3A_491 : i32
          %mul3A_493 = arith.constant 50 : i32
          %mul3A_494 = arith.muli %scan3A_50, %mul3A_493 : i32
          %add3A_495 = arith.addi %mul3A_494, %scan3A_492 : i32
          %get3A_496 = arith.index_cast %add3A_495 : i32 to index
          %get3A_497 = arith.constant 0 : index
          %get3A_498 = tpu.vector_load %arg6[%get3A_496, %get3A_497] {strides = array<i32>} : memref<400x64xf32, #tpu.memory_space<vmem>>, vector<1x16xf32>,
          %get3A_499 = vector.shape_cast %get3A_498 : vector<1x16xf32> to vector<16xf32>
          %add3A_500 = arith.addf %add3A_475, %get3A_499 : vector<16xf32>
          %get3A_501 = arith.index_cast %add3A_495 : i32 to index
          %get3A_502 = arith.constant 16 : index
          %get3A_503 = tpu.vector_load %arg6[%get3A_501, %get3A_502] {strides = array<i32>} : memref<400x64xf32, #tpu.memory_space<vmem>>, vector<1x16xf32>,
          %get3A_504 = vector.shape_cast %get3A_503 : vector<1x16xf32> to vector<16xf32>
          %add3A_505 = arith.addf %add3A_480, %get3A_504 : vector<16xf32>
          %get3A_506 = arith.index_cast %add3A_495 : i32 to index
          %get3A_507 = arith.constant 32 : index
          %get3A_508 = tpu.vector_load %arg6[%get3A_506, %get3A_507] {strides = array<i32>} : memref<400x64xf32, #tpu.memory_space<vmem>>, vector<1x16xf32>,
          %get3A_509 = vector.shape_cast %get3A_508 : vector<1x16xf32> to vector<16xf32>
          %add3A_510 = arith.addf %add3A_485, %get3A_509 : vector<16xf32>
          %get3A_511 = arith.index_cast %add3A_495 : i32 to index
          %get3A_512 = arith.constant 48 : index
          %get3A_513 = tpu.vector_load %arg6[%get3A_511, %get3A_512] {strides = array<i32>} : memref<400x64xf32, #tpu.memory_space<vmem>>, vector<1x16xf32>,
          %get3A_514 = vector.shape_cast %get3A_513 : vector<1x16xf32> to vector<16xf32>
          %add3A_515 = arith.addf %add3A_490, %get3A_514 : vector<16xf32>
          %scan3A_516 = arith.constant 17 : i32
          %scan3A_517 = arith.addi %scan3A_89, %scan3A_516 : i32
          %mul3A_518 = arith.constant 50 : i32
          %mul3A_519 = arith.muli %scan3A_50, %mul3A_518 : i32
          %add3A_520 = arith.addi %mul3A_519, %scan3A_517 : i32
          %get3A_521 = arith.index_cast %add3A_520 : i32 to index
          %get3A_522 = arith.constant 0 : index
          %get3A_523 = tpu.vector_load %arg6[%get3A_521, %get3A_522] {strides = array<i32>} : memref<400x64xf32, #tpu.memory_space<vmem>>, vector<1x16xf32>,
          %get3A_524 = vector.shape_cast %get3A_523 : vector<1x16xf32> to vector<16xf32>
          %add3A_525 = arith.addf %add3A_500, %get3A_524 : vector<16xf32>
          %get3A_526 = arith.index_cast %add3A_520 : i32 to index
          %get3A_527 = arith.constant 16 : index
          %get3A_528 = tpu.vector_load %arg6[%get3A_526, %get3A_527] {strides = array<i32>} : memref<400x64xf32, #tpu.memory_space<vmem>>, vector<1x16xf32>,
          %get3A_529 = vector.shape_cast %get3A_528 : vector<1x16xf32> to vector<16xf32>
          %add3A_530 = arith.addf %add3A_505, %get3A_529 : vector<16xf32>
          %get3A_531 = arith.index_cast %add3A_520 : i32 to index
          %get3A_532 = arith.constant 32 : index
          %get3A_533 = tpu.vector_load %arg6[%get3A_531, %get3A_532] {strides = array<i32>} : memref<400x64xf32, #tpu.memory_space<vmem>>, vector<1x16xf32>,
          %get3A_534 = vector.shape_cast %get3A_533 : vector<1x16xf32> to vector<16xf32>
          %add3A_535 = arith.addf %add3A_510, %get3A_534 : vector<16xf32>
          %get3A_536 = arith.index_cast %add3A_520 : i32 to index
          %get3A_537 = arith.constant 48 : index
          %get3A_538 = tpu.vector_load %arg6[%get3A_536, %get3A_537] {strides = array<i32>} : memref<400x64xf32, #tpu.memory_space<vmem>>, vector<1x16xf32>,
          %get3A_539 = vector.shape_cast %get3A_538 : vector<1x16xf32> to vector<16xf32>
          %add3A_540 = arith.addf %add3A_515, %get3A_539 : vector<16xf32>
          %scan3A_541 = arith.constant 18 : i32
          %scan3A_542 = arith.addi %scan3A_89, %scan3A_541 : i32
          %mul3A_543 = arith.constant 50 : i32
          %mul3A_544 = arith.muli %scan3A_50, %mul3A_543 : i32
          %add3A_545 = arith.addi %mul3A_544, %scan3A_542 : i32
          %get3A_546 = arith.index_cast %add3A_545 : i32 to index
          %get3A_547 = arith.constant 0 : index
          %get3A_548 = tpu.vector_load %arg6[%get3A_546, %get3A_547] {strides = array<i32>} : memref<400x64xf32, #tpu.memory_space<vmem>>, vector<1x16xf32>,
          %get3A_549 = vector.shape_cast %get3A_548 : vector<1x16xf32> to vector<16xf32>
          %add3A_550 = arith.addf %add3A_525, %get3A_549 : vector<16xf32>
          %get3A_551 = arith.index_cast %add3A_545 : i32 to index
          %get3A_552 = arith.constant 16 : index
          %get3A_553 = tpu.vector_load %arg6[%get3A_551, %get3A_552] {strides = array<i32>} : memref<400x64xf32, #tpu.memory_space<vmem>>, vector<1x16xf32>,
          %get3A_554 = vector.shape_cast %get3A_553 : vector<1x16xf32> to vector<16xf32>
          %add3A_555 = arith.addf %add3A_530, %get3A_554 : vector<16xf32>
          %get3A_556 = arith.index_cast %add3A_545 : i32 to index
          %get3A_557 = arith.constant 32 : index
          %get3A_558 = tpu.vector_load %arg6[%get3A_556, %get3A_557] {strides = array<i32>} : memref<400x64xf32, #tpu.memory_space<vmem>>, vector<1x16xf32>,
          %get3A_559 = vector.shape_cast %get3A_558 : vector<1x16xf32> to vector<16xf32>
          %add3A_560 = arith.addf %add3A_535, %get3A_559 : vector<16xf32>
          %get3A_561 = arith.index_cast %add3A_545 : i32 to index
          %get3A_562 = arith.constant 48 : index
          %get3A_563 = tpu.vector_load %arg6[%get3A_561, %get3A_562] {strides = array<i32>} : memref<400x64xf32, #tpu.memory_space<vmem>>, vector<1x16xf32>,
          %get3A_564 = vector.shape_cast %get3A_563 : vector<1x16xf32> to vector<16xf32>
          %add3A_565 = arith.addf %add3A_540, %get3A_564 : vector<16xf32>
          %scan3A_566 = arith.constant 19 : i32
          %scan3A_567 = arith.addi %scan3A_89, %scan3A_566 : i32
          %mul3A_568 = arith.constant 50 : i32
          %mul3A_569 = arith.muli %scan3A_50, %mul3A_568 : i32
          %add3A_570 = arith.addi %mul3A_569, %scan3A_567 : i32
          %get3A_571 = arith.index_cast %add3A_570 : i32 to index
          %get3A_572 = arith.constant 0 : index
          %get3A_573 = tpu.vector_load %arg6[%get3A_571, %get3A_572] {strides = array<i32>} : memref<400x64xf32, #tpu.memory_space<vmem>>, vector<1x16xf32>,
          %get3A_574 = vector.shape_cast %get3A_573 : vector<1x16xf32> to vector<16xf32>
          %add3A_575 = arith.addf %add3A_550, %get3A_574 : vector<16xf32>
          %get3A_576 = arith.index_cast %add3A_570 : i32 to index
          %get3A_577 = arith.constant 16 : index
          %get3A_578 = tpu.vector_load %arg6[%get3A_576, %get3A_577] {strides = array<i32>} : memref<400x64xf32, #tpu.memory_space<vmem>>, vector<1x16xf32>,
          %get3A_579 = vector.shape_cast %get3A_578 : vector<1x16xf32> to vector<16xf32>
          %add3A_580 = arith.addf %add3A_555, %get3A_579 : vector<16xf32>
          %get3A_581 = arith.index_cast %add3A_570 : i32 to index
          %get3A_582 = arith.constant 32 : index
          %get3A_583 = tpu.vector_load %arg6[%get3A_581, %get3A_582] {strides = array<i32>} : memref<400x64xf32, #tpu.memory_space<vmem>>, vector<1x16xf32>,
          %get3A_584 = vector.shape_cast %get3A_583 : vector<1x16xf32> to vector<16xf32>
          %add3A_585 = arith.addf %add3A_560, %get3A_584 : vector<16xf32>
          %get3A_586 = arith.index_cast %add3A_570 : i32 to index
          %get3A_587 = arith.constant 48 : index
          %get3A_588 = tpu.vector_load %arg6[%get3A_586, %get3A_587] {strides = array<i32>} : memref<400x64xf32, #tpu.memory_space<vmem>>, vector<1x16xf32>,
          %get3A_589 = vector.shape_cast %get3A_588 : vector<1x16xf32> to vector<16xf32>
          %add3A_590 = arith.addf %add3A_565, %get3A_589 : vector<16xf32>
          %scan3A_591 = arith.constant 20 : i32
          %scan3A_592 = arith.addi %scan3A_89, %scan3A_591 : i32
          %mul3A_593 = arith.constant 50 : i32
          %mul3A_594 = arith.muli %scan3A_50, %mul3A_593 : i32
          %add3A_595 = arith.addi %mul3A_594, %scan3A_592 : i32
          %get3A_596 = arith.index_cast %add3A_595 : i32 to index
          %get3A_597 = arith.constant 0 : index
          %get3A_598 = tpu.vector_load %arg6[%get3A_596, %get3A_597] {strides = array<i32>} : memref<400x64xf32, #tpu.memory_space<vmem>>, vector<1x16xf32>,
          %get3A_599 = vector.shape_cast %get3A_598 : vector<1x16xf32> to vector<16xf32>
          %add3A_600 = arith.addf %add3A_575, %get3A_599 : vector<16xf32>
          %get3A_601 = arith.index_cast %add3A_595 : i32 to index
          %get3A_602 = arith.constant 16 : index
          %get3A_603 = tpu.vector_load %arg6[%get3A_601, %get3A_602] {strides = array<i32>} : memref<400x64xf32, #tpu.memory_space<vmem>>, vector<1x16xf32>,
          %get3A_604 = vector.shape_cast %get3A_603 : vector<1x16xf32> to vector<16xf32>
          %add3A_605 = arith.addf %add3A_580, %get3A_604 : vector<16xf32>
          %get3A_606 = arith.index_cast %add3A_595 : i32 to index
          %get3A_607 = arith.constant 32 : index
          %get3A_608 = tpu.vector_load %arg6[%get3A_606, %get3A_607] {strides = array<i32>} : memref<400x64xf32, #tpu.memory_space<vmem>>, vector<1x16xf32>,
          %get3A_609 = vector.shape_cast %get3A_608 : vector<1x16xf32> to vector<16xf32>
          %add3A_610 = arith.addf %add3A_585, %get3A_609 : vector<16xf32>
          %get3A_611 = arith.index_cast %add3A_595 : i32 to index
          %get3A_612 = arith.constant 48 : index
          %get3A_613 = tpu.vector_load %arg6[%get3A_611, %get3A_612] {strides = array<i32>} : memref<400x64xf32, #tpu.memory_space<vmem>>, vector<1x16xf32>,
          %get3A_614 = vector.shape_cast %get3A_613 : vector<1x16xf32> to vector<16xf32>
          %add3A_615 = arith.addf %add3A_590, %get3A_614 : vector<16xf32>
          %scan3A_616 = arith.constant 21 : i32
          %scan3A_617 = arith.addi %scan3A_89, %scan3A_616 : i32
          %mul3A_618 = arith.constant 50 : i32
          %mul3A_619 = arith.muli %scan3A_50, %mul3A_618 : i32
          %add3A_620 = arith.addi %mul3A_619, %scan3A_617 : i32
          %get3A_621 = arith.index_cast %add3A_620 : i32 to index
          %get3A_622 = arith.constant 0 : index
          %get3A_623 = tpu.vector_load %arg6[%get3A_621, %get3A_622] {strides = array<i32>} : memref<400x64xf32, #tpu.memory_space<vmem>>, vector<1x16xf32>,
          %get3A_624 = vector.shape_cast %get3A_623 : vector<1x16xf32> to vector<16xf32>
          %add3A_625 = arith.addf %add3A_600, %get3A_624 : vector<16xf32>
          %get3A_626 = arith.index_cast %add3A_620 : i32 to index
          %get3A_627 = arith.constant 16 : index
          %get3A_628 = tpu.vector_load %arg6[%get3A_626, %get3A_627] {strides = array<i32>} : memref<400x64xf32, #tpu.memory_space<vmem>>, vector<1x16xf32>,
          %get3A_629 = vector.shape_cast %get3A_628 : vector<1x16xf32> to vector<16xf32>
          %add3A_630 = arith.addf %add3A_605, %get3A_629 : vector<16xf32>
          %get3A_631 = arith.index_cast %add3A_620 : i32 to index
          %get3A_632 = arith.constant 32 : index
          %get3A_633 = tpu.vector_load %arg6[%get3A_631, %get3A_632] {strides = array<i32>} : memref<400x64xf32, #tpu.memory_space<vmem>>, vector<1x16xf32>,
          %get3A_634 = vector.shape_cast %get3A_633 : vector<1x16xf32> to vector<16xf32>
          %add3A_635 = arith.addf %add3A_610, %get3A_634 : vector<16xf32>
          %get3A_636 = arith.index_cast %add3A_620 : i32 to index
          %get3A_637 = arith.constant 48 : index
          %get3A_638 = tpu.vector_load %arg6[%get3A_636, %get3A_637] {strides = array<i32>} : memref<400x64xf32, #tpu.memory_space<vmem>>, vector<1x16xf32>,
          %get3A_639 = vector.shape_cast %get3A_638 : vector<1x16xf32> to vector<16xf32>
          %add3A_640 = arith.addf %add3A_615, %get3A_639 : vector<16xf32>
          %scan3A_641 = arith.constant 22 : i32
          %scan3A_642 = arith.addi %scan3A_89, %scan3A_641 : i32
          %mul3A_643 = arith.constant 50 : i32
          %mul3A_644 = arith.muli %scan3A_50, %mul3A_643 : i32
          %add3A_645 = arith.addi %mul3A_644, %scan3A_642 : i32
          %get3A_646 = arith.index_cast %add3A_645 : i32 to index
          %get3A_647 = arith.constant 0 : index
          %get3A_648 = tpu.vector_load %arg6[%get3A_646, %get3A_647] {strides = array<i32>} : memref<400x64xf32, #tpu.memory_space<vmem>>, vector<1x16xf32>,
          %get3A_649 = vector.shape_cast %get3A_648 : vector<1x16xf32> to vector<16xf32>
          %add3A_650 = arith.addf %add3A_625, %get3A_649 : vector<16xf32>
          %get3A_651 = arith.index_cast %add3A_645 : i32 to index
          %get3A_652 = arith.constant 16 : index
          %get3A_653 = tpu.vector_load %arg6[%get3A_651, %get3A_652] {strides = array<i32>} : memref<400x64xf32, #tpu.memory_space<vmem>>, vector<1x16xf32>,
          %get3A_654 = vector.shape_cast %get3A_653 : vector<1x16xf32> to vector<16xf32>
          %add3A_655 = arith.addf %add3A_630, %get3A_654 : vector<16xf32>
          %get3A_656 = arith.index_cast %add3A_645 : i32 to index
          %get3A_657 = arith.constant 32 : index
          %get3A_658 = tpu.vector_load %arg6[%get3A_656, %get3A_657] {strides = array<i32>} : memref<400x64xf32, #tpu.memory_space<vmem>>, vector<1x16xf32>,
          %get3A_659 = vector.shape_cast %get3A_658 : vector<1x16xf32> to vector<16xf32>
          %add3A_660 = arith.addf %add3A_635, %get3A_659 : vector<16xf32>
          %get3A_661 = arith.index_cast %add3A_645 : i32 to index
          %get3A_662 = arith.constant 48 : index
          %get3A_663 = tpu.vector_load %arg6[%get3A_661, %get3A_662] {strides = array<i32>} : memref<400x64xf32, #tpu.memory_space<vmem>>, vector<1x16xf32>,
          %get3A_664 = vector.shape_cast %get3A_663 : vector<1x16xf32> to vector<16xf32>
          %add3A_665 = arith.addf %add3A_640, %get3A_664 : vector<16xf32>
          %scan3A_666 = arith.constant 23 : i32
          %scan3A_667 = arith.addi %scan3A_89, %scan3A_666 : i32
          %mul3A_668 = arith.constant 50 : i32
          %mul3A_669 = arith.muli %scan3A_50, %mul3A_668 : i32
          %add3A_670 = arith.addi %mul3A_669, %scan3A_667 : i32
          %get3A_671 = arith.index_cast %add3A_670 : i32 to index
          %get3A_672 = arith.constant 0 : index
          %get3A_673 = tpu.vector_load %arg6[%get3A_671, %get3A_672] {strides = array<i32>} : memref<400x64xf32, #tpu.memory_space<vmem>>, vector<1x16xf32>,
          %get3A_674 = vector.shape_cast %get3A_673 : vector<1x16xf32> to vector<16xf32>
          %add3A_675 = arith.addf %add3A_650, %get3A_674 : vector<16xf32>
          %get3A_676 = arith.index_cast %add3A_670 : i32 to index
          %get3A_677 = arith.constant 16 : index
          %get3A_678 = tpu.vector_load %arg6[%get3A_676, %get3A_677] {strides = array<i32>} : memref<400x64xf32, #tpu.memory_space<vmem>>, vector<1x16xf32>,
          %get3A_679 = vector.shape_cast %get3A_678 : vector<1x16xf32> to vector<16xf32>
          %add3A_680 = arith.addf %add3A_655, %get3A_679 : vector<16xf32>
          %get3A_681 = arith.index_cast %add3A_670 : i32 to index
          %get3A_682 = arith.constant 32 : index
          %get3A_683 = tpu.vector_load %arg6[%get3A_681, %get3A_682] {strides = array<i32>} : memref<400x64xf32, #tpu.memory_space<vmem>>, vector<1x16xf32>,
          %get3A_684 = vector.shape_cast %get3A_683 : vector<1x16xf32> to vector<16xf32>
          %add3A_685 = arith.addf %add3A_660, %get3A_684 : vector<16xf32>
          %get3A_686 = arith.index_cast %add3A_670 : i32 to index
          %get3A_687 = arith.constant 48 : index
          %get3A_688 = tpu.vector_load %arg6[%get3A_686, %get3A_687] {strides = array<i32>} : memref<400x64xf32, #tpu.memory_space<vmem>>, vector<1x16xf32>,
          %get3A_689 = vector.shape_cast %get3A_688 : vector<1x16xf32> to vector<16xf32>
          %add3A_690 = arith.addf %add3A_665, %get3A_689 : vector<16xf32>
          %scan3A_691 = arith.constant 24 : i32
          %scan3A_692 = arith.addi %scan3A_89, %scan3A_691 : i32
          %mul3A_693 = arith.constant 50 : i32
          %mul3A_694 = arith.muli %scan3A_50, %mul3A_693 : i32
          %add3A_695 = arith.addi %mul3A_694, %scan3A_692 : i32
          %get3A_696 = arith.index_cast %add3A_695 : i32 to index
          %get3A_697 = arith.constant 0 : index
          %get3A_698 = tpu.vector_load %arg6[%get3A_696, %get3A_697] {strides = array<i32>} : memref<400x64xf32, #tpu.memory_space<vmem>>, vector<1x16xf32>,
          %get3A_699 = vector.shape_cast %get3A_698 : vector<1x16xf32> to vector<16xf32>
          %add3A_700 = arith.addf %add3A_675, %get3A_699 : vector<16xf32>
          %get3A_701 = arith.index_cast %add3A_695 : i32 to index
          %get3A_702 = arith.constant 16 : index
          %get3A_703 = tpu.vector_load %arg6[%get3A_701, %get3A_702] {strides = array<i32>} : memref<400x64xf32, #tpu.memory_space<vmem>>, vector<1x16xf32>,
          %get3A_704 = vector.shape_cast %get3A_703 : vector<1x16xf32> to vector<16xf32>
          %add3A_705 = arith.addf %add3A_680, %get3A_704 : vector<16xf32>
          %get3A_706 = arith.index_cast %add3A_695 : i32 to index
          %get3A_707 = arith.constant 32 : index
          %get3A_708 = tpu.vector_load %arg6[%get3A_706, %get3A_707] {strides = array<i32>} : memref<400x64xf32, #tpu.memory_space<vmem>>, vector<1x16xf32>,
          %get3A_709 = vector.shape_cast %get3A_708 : vector<1x16xf32> to vector<16xf32>
          %add3A_710 = arith.addf %add3A_685, %get3A_709 : vector<16xf32>
          %get3A_711 = arith.index_cast %add3A_695 : i32 to index
          %get3A_712 = arith.constant 48 : index
          %get3A_713 = tpu.vector_load %arg6[%get3A_711, %get3A_712] {strides = array<i32>} : memref<400x64xf32, #tpu.memory_space<vmem>>, vector<1x16xf32>,
          %get3A_714 = vector.shape_cast %get3A_713 : vector<1x16xf32> to vector<16xf32>
          %add3A_715 = arith.addf %add3A_690, %get3A_714 : vector<16xf32>
          scf.yield %add3A_700, %add3A_705, %add3A_710, %add3A_715 : vector<16xf32>, vector<16xf32>, vector<16xf32>, vector<16xf32>
        }
        %scan3A_57 = arith.constant 50 : i32
        %mul3A_58 = arith.constant 8 : i32
        %mul3A_59 = arith.muli %mul3A_16, %mul3A_58 : i32
        %add3A_60 = arith.addi %mul3A_59, %scan3A_50 : i32
        %swap3A = arith.index_cast %add3A_60 : i32 to index
        %swap3A_61 = arith.constant 0 : index
        %swap3A_62 = tpu.vector_load %arg8[%swap3A, %swap3A_61] {strides = array<i32>} : memref<640x64xf32, #tpu.memory_space<vmem>>, vector<1x16xf32>,
        %swap3A_63 = vector.shape_cast %swap3A_62 : vector<1x16xf32> to vector<16xf32>
        %swap3A_64 = vector.shape_cast %scan3A_56#0 : vector<16xf32> to vector<1x16xf32>
        tpu.vector_store %arg8[%swap3A, %swap3A_61], %swap3A_64 {strides = array<i32>} : memref<640x64xf32, #tpu.memory_space<vmem>>, vector<1x16xf32>,
        %mul3A_65 = arith.constant 8 : i32
        %mul3A_66 = arith.muli %mul3A_16, %mul3A_65 : i32
        %add3A_67 = arith.addi %mul3A_66, %scan3A_50 : i32
        %swap3A_68 = arith.index_cast %add3A_67 : i32 to index
        %swap3A_69 = arith.constant 16 : index
        %swap3A_70 = tpu.vector_load %arg8[%swap3A_68, %swap3A_69] {strides = array<i32>} : memref<640x64xf32, #tpu.memory_space<vmem>>, vector<1x16xf32>,
        %swap3A_71 = vector.shape_cast %swap3A_70 : vector<1x16xf32> to vector<16xf32>
        %swap3A_72 = vector.shape_cast %scan3A_56#1 : vector<16xf32> to vector<1x16xf32>
        tpu.vector_store %arg8[%swap3A_68, %swap3A_69], %swap3A_72 {strides = array<i32>} : memref<640x64xf32, #tpu.memory_space<vmem>>, vector<1x16xf32>,
        %mul3A_73 = arith.constant 8 : i32
        %mul3A_74 = arith.muli %mul3A_16, %mul3A_73 : i32
        %add3A_75 = arith.addi %mul3A_74, %scan3A_50 : i32
        %swap3A_76 = arith.index_cast %add3A_75 : i32 to index
        %swap3A_77 = arith.constant 32 : index
        %swap3A_78 = tpu.vector_load %arg8[%swap3A_76, %swap3A_77] {strides = array<i32>} : memref<640x64xf32, #tpu.memory_space<vmem>>, vector<1x16xf32>,
        %swap3A_79 = vector.shape_cast %swap3A_78 : vector<1x16xf32> to vector<16xf32>
        %swap3A_80 = vector.shape_cast %scan3A_56#2 : vector<16xf32> to vector<1x16xf32>
        tpu.vector_store %arg8[%swap3A_76, %swap3A_77], %swap3A_80 {strides = array<i32>} : memref<640x64xf32, #tpu.memory_space<vmem>>, vector<1x16xf32>,
        %mul3A_81 = arith.constant 8 : i32
        %mul3A_82 = arith.muli %mul3A_16, %mul3A_81 : i32
        %add3A_83 = arith.addi %mul3A_82, %scan3A_50 : i32
        %swap3A_84 = arith.index_cast %add3A_83 : i32 to index
        %swap3A_85 = arith.constant 48 : index
        %swap3A_86 = tpu.vector_load %arg8[%swap3A_84, %swap3A_85] {strides = array<i32>} : memref<640x64xf32, #tpu.memory_space<vmem>>, vector<1x16xf32>,
        %swap3A_87 = vector.shape_cast %swap3A_86 : vector<1x16xf32> to vector<16xf32>
        %swap3A_88 = vector.shape_cast %scan3A_56#3 : vector<16xf32> to vector<1x16xf32>
        tpu.vector_store %arg8[%swap3A_84, %swap3A_85], %swap3A_88 {strides = array<i32>} : memref<640x64xf32, #tpu.memory_space<vmem>>, vector<1x16xf32>,
      }
      %scan3A_35 = arith.constant 8 : i32
      %lt3A = arith.constant 39 : i32
      %lt3A_36 = arith.cmpi slt, %scan3A_14, %lt3A : i32
      %convert_element_type3A = arith.extui %lt3A_36 : i1 to i32
      %cond3A = arith.constant 0 : i32
      %cond3A_37 = arith.cmpi ne, %convert_element_type3A, %cond3A : i32
      scf.if %cond3A_37 {
        %add3A_50 = arith.constant 2 : i32
        %add3A_51 = arith.addi %mul3A_16, %add3A_50 : i32
        %mul3A_52 = arith.constant 400 : i32
        %mul3A_53 = arith.muli %add3A_51, %mul3A_52 : i32
        %dma_start3A_54 = tpu.memref_slice %arg5[%mul3A_53] : memref<32000xi32, #tpu.memory_space<vmem>> -> memref<400xi32, #tpu.memory_space<vmem>>
        %dma_start3A_55 = arith.constant 0 : i32
        %dma_start3A_56 = arith.constant 0 : i32
        %dma_start3A_57 = tpu.memref_slice %arg2[%dma_start3A_55, %dma_start3A_56] : memref<1000000x64xf32, #tpu.memory_space<hbm>> -> memref<1000000x64xf32, #tpu.memory_space<hbm>>
        tpu.enqueue_indirect_dma source(%dma_start3A_57 : memref<1000000x64xf32, #tpu.memory_space<hbm>>) target(%arg6 : memref<400x64xf32, #tpu.memory_space<vmem>>) offsets(%dma_start3A_54 : memref<400xi32, #tpu.memory_space<vmem>>) semaphore(%arg9 : memref<!tpu.dma_semaphore, #tpu.memory_space<semaphore_mem>>)
      } else {
      }
      %dma_wait3A_38 = tpu.memref_slice %arg5[%mul3A_20] : memref<32000xi32, #tpu.memory_space<vmem>> -> memref<400xi32, #tpu.memory_space<vmem>>
      %dma_wait3A_39 = arith.constant 0 : i32
      %dma_wait3A_40 = arith.constant 0 : i32
      %dma_wait3A_41 = tpu.memref_slice %arg2[%dma_wait3A_39, %dma_wait3A_40] : memref<1000000x64xf32, #tpu.memory_space<hbm>> -> memref<1000000x64xf32, #tpu.memory_space<hbm>>
      tpu.wait_indirect_dma semaphore(%arg10 : memref<!tpu.dma_semaphore, #tpu.memory_space<semaphore_mem>>) src(%dma_wait3A_41 : memref<1000000x64xf32, #tpu.memory_space<hbm>>) dst(%arg7 : memref<400x64xf32, #tpu.memory_space<vmem>>)
      %add3A_42 = arith.constant 1 : i32
      %add3A_43 = arith.addi %mul3A_16, %add3A_42 : i32
      %scan3A_44 = arith.constant 0 : i32
      %scan3A_45 = arith.constant 0 : i32
      %scan3A_46 = arith.constant 8 : i32
      %scan3A_47 = arith.addi %scan3A_45, %scan3A_46 : i32
      %scan3A_48 = arith.constant 1 : i32
      scf.for %scan3A_50 = %scan3A_45 to %scan3A_47 step %scan3A_48  : i32 {
        %broadcast_in_dim3A = arith.constant 0.000000e+00 : f32
        %broadcast_in_dim3A_51 = vector.broadcast %broadcast_in_dim3A : f32 to vector<16xf32>
        %scan3A_52 = arith.constant 0 : i32
        %scan3A_53 = arith.constant 50 : i32
        %scan3A_54 = arith.addi %scan3A_52, %scan3A_53 : i32
        %scan3A_55 = arith.constant 25 : i32
        %scan3A_56:4 = scf.for %scan3A_89 = %scan3A_52 to %scan3A_54 step %scan3A_55 iter_args(%scan3A_90 = %broadcast_in_dim3A_51, %scan3A_91 = %broadcast_in_dim3A_51, %scan3A_92 = %broadcast_in_dim3A_51, %scan3A_93 = %broadcast_in_dim3A_51) -> (vector<16xf32>, vector<16xf32>, vector<16xf32>, vector<16xf32>)  : i32 {
          %mul3A_94 = arith.constant 50 : i32
          %mul3A_95 = arith.muli %scan3A_50, %mul3A_94 : i32
          %add3A_96 = arith.addi %mul3A_95, %scan3A_89 : i32
          %get3A = arith.index_cast %add3A_96 : i32 to index
          %get3A_97 = arith.constant 0 : index
          %get3A_98 = tpu.vector_load %arg7[%get3A, %get3A_97] {strides = array<i32>} : memref<400x64xf32, #tpu.memory_space<vmem>>, vector<1x16xf32>,
          %get3A_99 = vector.shape_cast %get3A_98 : vector<1x16xf32> to vector<16xf32>
          %add3A_100 = arith.addf %scan3A_90, %get3A_99 : vector<16xf32>
          %get3A_101 = arith.index_cast %add3A_96 : i32 to index
          %get3A_102 = arith.constant 16 : index
          %get3A_103 = tpu.vector_load %arg7[%get3A_101, %get3A_102] {strides = array<i32>} : memref<400x64xf32, #tpu.memory_space<vmem>>, vector<1x16xf32>,
          %get3A_104 = vector.shape_cast %get3A_103 : vector<1x16xf32> to vector<16xf32>
          %add3A_105 = arith.addf %scan3A_91, %get3A_104 : vector<16xf32>
          %get3A_106 = arith.index_cast %add3A_96 : i32 to index
          %get3A_107 = arith.constant 32 : index
          %get3A_108 = tpu.vector_load %arg7[%get3A_106, %get3A_107] {strides = array<i32>} : memref<400x64xf32, #tpu.memory_space<vmem>>, vector<1x16xf32>,
          %get3A_109 = vector.shape_cast %get3A_108 : vector<1x16xf32> to vector<16xf32>
          %add3A_110 = arith.addf %scan3A_92, %get3A_109 : vector<16xf32>
          %get3A_111 = arith.index_cast %add3A_96 : i32 to index
          %get3A_112 = arith.constant 48 : index
          %get3A_113 = tpu.vector_load %arg7[%get3A_111, %get3A_112] {strides = array<i32>} : memref<400x64xf32, #tpu.memory_space<vmem>>, vector<1x16xf32>,
          %get3A_114 = vector.shape_cast %get3A_113 : vector<1x16xf32> to vector<16xf32>
          %add3A_115 = arith.addf %scan3A_93, %get3A_114 : vector<16xf32>
          %scan3A_116 = arith.constant 1 : i32
          %scan3A_117 = arith.addi %scan3A_89, %scan3A_116 : i32
          %mul3A_118 = arith.constant 50 : i32
          %mul3A_119 = arith.muli %scan3A_50, %mul3A_118 : i32
          %add3A_120 = arith.addi %mul3A_119, %scan3A_117 : i32
          %get3A_121 = arith.index_cast %add3A_120 : i32 to index
          %get3A_122 = arith.constant 0 : index
          %get3A_123 = tpu.vector_load %arg7[%get3A_121, %get3A_122] {strides = array<i32>} : memref<400x64xf32, #tpu.memory_space<vmem>>, vector<1x16xf32>,
          %get3A_124 = vector.shape_cast %get3A_123 : vector<1x16xf32> to vector<16xf32>
          %add3A_125 = arith.addf %add3A_100, %get3A_124 : vector<16xf32>
          %get3A_126 = arith.index_cast %add3A_120 : i32 to index
          %get3A_127 = arith.constant 16 : index
          %get3A_128 = tpu.vector_load %arg7[%get3A_126, %get3A_127] {strides = array<i32>} : memref<400x64xf32, #tpu.memory_space<vmem>>, vector<1x16xf32>,
          %get3A_129 = vector.shape_cast %get3A_128 : vector<1x16xf32> to vector<16xf32>
          %add3A_130 = arith.addf %add3A_105, %get3A_129 : vector<16xf32>
          %get3A_131 = arith.index_cast %add3A_120 : i32 to index
          %get3A_132 = arith.constant 32 : index
          %get3A_133 = tpu.vector_load %arg7[%get3A_131, %get3A_132] {strides = array<i32>} : memref<400x64xf32, #tpu.memory_space<vmem>>, vector<1x16xf32>,
          %get3A_134 = vector.shape_cast %get3A_133 : vector<1x16xf32> to vector<16xf32>
          %add3A_135 = arith.addf %add3A_110, %get3A_134 : vector<16xf32>
          %get3A_136 = arith.index_cast %add3A_120 : i32 to index
          %get3A_137 = arith.constant 48 : index
          %get3A_138 = tpu.vector_load %arg7[%get3A_136, %get3A_137] {strides = array<i32>} : memref<400x64xf32, #tpu.memory_space<vmem>>, vector<1x16xf32>,
          %get3A_139 = vector.shape_cast %get3A_138 : vector<1x16xf32> to vector<16xf32>
          %add3A_140 = arith.addf %add3A_115, %get3A_139 : vector<16xf32>
          %scan3A_141 = arith.constant 2 : i32
          %scan3A_142 = arith.addi %scan3A_89, %scan3A_141 : i32
          %mul3A_143 = arith.constant 50 : i32
          %mul3A_144 = arith.muli %scan3A_50, %mul3A_143 : i32
          %add3A_145 = arith.addi %mul3A_144, %scan3A_142 : i32
          %get3A_146 = arith.index_cast %add3A_145 : i32 to index
          %get3A_147 = arith.constant 0 : index
          %get3A_148 = tpu.vector_load %arg7[%get3A_146, %get3A_147] {strides = array<i32>} : memref<400x64xf32, #tpu.memory_space<vmem>>, vector<1x16xf32>,
          %get3A_149 = vector.shape_cast %get3A_148 : vector<1x16xf32> to vector<16xf32>
          %add3A_150 = arith.addf %add3A_125, %get3A_149 : vector<16xf32>
          %get3A_151 = arith.index_cast %add3A_145 : i32 to index
          %get3A_152 = arith.constant 16 : index
          %get3A_153 = tpu.vector_load %arg7[%get3A_151, %get3A_152] {strides = array<i32>} : memref<400x64xf32, #tpu.memory_space<vmem>>, vector<1x16xf32>,
          %get3A_154 = vector.shape_cast %get3A_153 : vector<1x16xf32> to vector<16xf32>
          %add3A_155 = arith.addf %add3A_130, %get3A_154 : vector<16xf32>
          %get3A_156 = arith.index_cast %add3A_145 : i32 to index
          %get3A_157 = arith.constant 32 : index
          %get3A_158 = tpu.vector_load %arg7[%get3A_156, %get3A_157] {strides = array<i32>} : memref<400x64xf32, #tpu.memory_space<vmem>>, vector<1x16xf32>,
          %get3A_159 = vector.shape_cast %get3A_158 : vector<1x16xf32> to vector<16xf32>
          %add3A_160 = arith.addf %add3A_135, %get3A_159 : vector<16xf32>
          %get3A_161 = arith.index_cast %add3A_145 : i32 to index
          %get3A_162 = arith.constant 48 : index
          %get3A_163 = tpu.vector_load %arg7[%get3A_161, %get3A_162] {strides = array<i32>} : memref<400x64xf32, #tpu.memory_space<vmem>>, vector<1x16xf32>,
          %get3A_164 = vector.shape_cast %get3A_163 : vector<1x16xf32> to vector<16xf32>
          %add3A_165 = arith.addf %add3A_140, %get3A_164 : vector<16xf32>
          %scan3A_166 = arith.constant 3 : i32
          %scan3A_167 = arith.addi %scan3A_89, %scan3A_166 : i32
          %mul3A_168 = arith.constant 50 : i32
          %mul3A_169 = arith.muli %scan3A_50, %mul3A_168 : i32
          %add3A_170 = arith.addi %mul3A_169, %scan3A_167 : i32
          %get3A_171 = arith.index_cast %add3A_170 : i32 to index
          %get3A_172 = arith.constant 0 : index
          %get3A_173 = tpu.vector_load %arg7[%get3A_171, %get3A_172] {strides = array<i32>} : memref<400x64xf32, #tpu.memory_space<vmem>>, vector<1x16xf32>,
          %get3A_174 = vector.shape_cast %get3A_173 : vector<1x16xf32> to vector<16xf32>
          %add3A_175 = arith.addf %add3A_150, %get3A_174 : vector<16xf32>
          %get3A_176 = arith.index_cast %add3A_170 : i32 to index
          %get3A_177 = arith.constant 16 : index
          %get3A_178 = tpu.vector_load %arg7[%get3A_176, %get3A_177] {strides = array<i32>} : memref<400x64xf32, #tpu.memory_space<vmem>>, vector<1x16xf32>,
          %get3A_179 = vector.shape_cast %get3A_178 : vector<1x16xf32> to vector<16xf32>
          %add3A_180 = arith.addf %add3A_155, %get3A_179 : vector<16xf32>
          %get3A_181 = arith.index_cast %add3A_170 : i32 to index
          %get3A_182 = arith.constant 32 : index
          %get3A_183 = tpu.vector_load %arg7[%get3A_181, %get3A_182] {strides = array<i32>} : memref<400x64xf32, #tpu.memory_space<vmem>>, vector<1x16xf32>,
          %get3A_184 = vector.shape_cast %get3A_183 : vector<1x16xf32> to vector<16xf32>
          %add3A_185 = arith.addf %add3A_160, %get3A_184 : vector<16xf32>
          %get3A_186 = arith.index_cast %add3A_170 : i32 to index
          %get3A_187 = arith.constant 48 : index
          %get3A_188 = tpu.vector_load %arg7[%get3A_186, %get3A_187] {strides = array<i32>} : memref<400x64xf32, #tpu.memory_space<vmem>>, vector<1x16xf32>,
          %get3A_189 = vector.shape_cast %get3A_188 : vector<1x16xf32> to vector<16xf32>
          %add3A_190 = arith.addf %add3A_165, %get3A_189 : vector<16xf32>
          %scan3A_191 = arith.constant 4 : i32
          %scan3A_192 = arith.addi %scan3A_89, %scan3A_191 : i32
          %mul3A_193 = arith.constant 50 : i32
          %mul3A_194 = arith.muli %scan3A_50, %mul3A_193 : i32
          %add3A_195 = arith.addi %mul3A_194, %scan3A_192 : i32
          %get3A_196 = arith.index_cast %add3A_195 : i32 to index
          %get3A_197 = arith.constant 0 : index
          %get3A_198 = tpu.vector_load %arg7[%get3A_196, %get3A_197] {strides = array<i32>} : memref<400x64xf32, #tpu.memory_space<vmem>>, vector<1x16xf32>,
          %get3A_199 = vector.shape_cast %get3A_198 : vector<1x16xf32> to vector<16xf32>
          %add3A_200 = arith.addf %add3A_175, %get3A_199 : vector<16xf32>
          %get3A_201 = arith.index_cast %add3A_195 : i32 to index
          %get3A_202 = arith.constant 16 : index
          %get3A_203 = tpu.vector_load %arg7[%get3A_201, %get3A_202] {strides = array<i32>} : memref<400x64xf32, #tpu.memory_space<vmem>>, vector<1x16xf32>,
          %get3A_204 = vector.shape_cast %get3A_203 : vector<1x16xf32> to vector<16xf32>
          %add3A_205 = arith.addf %add3A_180, %get3A_204 : vector<16xf32>
          %get3A_206 = arith.index_cast %add3A_195 : i32 to index
          %get3A_207 = arith.constant 32 : index
          %get3A_208 = tpu.vector_load %arg7[%get3A_206, %get3A_207] {strides = array<i32>} : memref<400x64xf32, #tpu.memory_space<vmem>>, vector<1x16xf32>,
          %get3A_209 = vector.shape_cast %get3A_208 : vector<1x16xf32> to vector<16xf32>
          %add3A_210 = arith.addf %add3A_185, %get3A_209 : vector<16xf32>
          %get3A_211 = arith.index_cast %add3A_195 : i32 to index
          %get3A_212 = arith.constant 48 : index
          %get3A_213 = tpu.vector_load %arg7[%get3A_211, %get3A_212] {strides = array<i32>} : memref<400x64xf32, #tpu.memory_space<vmem>>, vector<1x16xf32>,
          %get3A_214 = vector.shape_cast %get3A_213 : vector<1x16xf32> to vector<16xf32>
          %add3A_215 = arith.addf %add3A_190, %get3A_214 : vector<16xf32>
          %scan3A_216 = arith.constant 5 : i32
          %scan3A_217 = arith.addi %scan3A_89, %scan3A_216 : i32
          %mul3A_218 = arith.constant 50 : i32
          %mul3A_219 = arith.muli %scan3A_50, %mul3A_218 : i32
          %add3A_220 = arith.addi %mul3A_219, %scan3A_217 : i32
          %get3A_221 = arith.index_cast %add3A_220 : i32 to index
          %get3A_222 = arith.constant 0 : index
          %get3A_223 = tpu.vector_load %arg7[%get3A_221, %get3A_222] {strides = array<i32>} : memref<400x64xf32, #tpu.memory_space<vmem>>, vector<1x16xf32>,
          %get3A_224 = vector.shape_cast %get3A_223 : vector<1x16xf32> to vector<16xf32>
          %add3A_225 = arith.addf %add3A_200, %get3A_224 : vector<16xf32>
          %get3A_226 = arith.index_cast %add3A_220 : i32 to index
          %get3A_227 = arith.constant 16 : index
          %get3A_228 = tpu.vector_load %arg7[%get3A_226, %get3A_227] {strides = array<i32>} : memref<400x64xf32, #tpu.memory_space<vmem>>, vector<1x16xf32>,
          %get3A_229 = vector.shape_cast %get3A_228 : vector<1x16xf32> to vector<16xf32>
          %add3A_230 = arith.addf %add3A_205, %get3A_229 : vector<16xf32>
          %get3A_231 = arith.index_cast %add3A_220 : i32 to index
          %get3A_232 = arith.constant 32 : index
          %get3A_233 = tpu.vector_load %arg7[%get3A_231, %get3A_232] {strides = array<i32>} : memref<400x64xf32, #tpu.memory_space<vmem>>, vector<1x16xf32>,
          %get3A_234 = vector.shape_cast %get3A_233 : vector<1x16xf32> to vector<16xf32>
          %add3A_235 = arith.addf %add3A_210, %get3A_234 : vector<16xf32>
          %get3A_236 = arith.index_cast %add3A_220 : i32 to index
          %get3A_237 = arith.constant 48 : index
          %get3A_238 = tpu.vector_load %arg7[%get3A_236, %get3A_237] {strides = array<i32>} : memref<400x64xf32, #tpu.memory_space<vmem>>, vector<1x16xf32>,
          %get3A_239 = vector.shape_cast %get3A_238 : vector<1x16xf32> to vector<16xf32>
          %add3A_240 = arith.addf %add3A_215, %get3A_239 : vector<16xf32>
          %scan3A_241 = arith.constant 6 : i32
          %scan3A_242 = arith.addi %scan3A_89, %scan3A_241 : i32
          %mul3A_243 = arith.constant 50 : i32
          %mul3A_244 = arith.muli %scan3A_50, %mul3A_243 : i32
          %add3A_245 = arith.addi %mul3A_244, %scan3A_242 : i32
          %get3A_246 = arith.index_cast %add3A_245 : i32 to index
          %get3A_247 = arith.constant 0 : index
          %get3A_248 = tpu.vector_load %arg7[%get3A_246, %get3A_247] {strides = array<i32>} : memref<400x64xf32, #tpu.memory_space<vmem>>, vector<1x16xf32>,
          %get3A_249 = vector.shape_cast %get3A_248 : vector<1x16xf32> to vector<16xf32>
          %add3A_250 = arith.addf %add3A_225, %get3A_249 : vector<16xf32>
          %get3A_251 = arith.index_cast %add3A_245 : i32 to index
          %get3A_252 = arith.constant 16 : index
          %get3A_253 = tpu.vector_load %arg7[%get3A_251, %get3A_252] {strides = array<i32>} : memref<400x64xf32, #tpu.memory_space<vmem>>, vector<1x16xf32>,
          %get3A_254 = vector.shape_cast %get3A_253 : vector<1x16xf32> to vector<16xf32>
          %add3A_255 = arith.addf %add3A_230, %get3A_254 : vector<16xf32>
          %get3A_256 = arith.index_cast %add3A_245 : i32 to index
          %get3A_257 = arith.constant 32 : index
          %get3A_258 = tpu.vector_load %arg7[%get3A_256, %get3A_257] {strides = array<i32>} : memref<400x64xf32, #tpu.memory_space<vmem>>, vector<1x16xf32>,
          %get3A_259 = vector.shape_cast %get3A_258 : vector<1x16xf32> to vector<16xf32>
          %add3A_260 = arith.addf %add3A_235, %get3A_259 : vector<16xf32>
          %get3A_261 = arith.index_cast %add3A_245 : i32 to index
          %get3A_262 = arith.constant 48 : index
          %get3A_263 = tpu.vector_load %arg7[%get3A_261, %get3A_262] {strides = array<i32>} : memref<400x64xf32, #tpu.memory_space<vmem>>, vector<1x16xf32>,
          %get3A_264 = vector.shape_cast %get3A_263 : vector<1x16xf32> to vector<16xf32>
          %add3A_265 = arith.addf %add3A_240, %get3A_264 : vector<16xf32>
          %scan3A_266 = arith.constant 7 : i32
          %scan3A_267 = arith.addi %scan3A_89, %scan3A_266 : i32
          %mul3A_268 = arith.constant 50 : i32
          %mul3A_269 = arith.muli %scan3A_50, %mul3A_268 : i32
          %add3A_270 = arith.addi %mul3A_269, %scan3A_267 : i32
          %get3A_271 = arith.index_cast %add3A_270 : i32 to index
          %get3A_272 = arith.constant 0 : index
          %get3A_273 = tpu.vector_load %arg7[%get3A_271, %get3A_272] {strides = array<i32>} : memref<400x64xf32, #tpu.memory_space<vmem>>, vector<1x16xf32>,
          %get3A_274 = vector.shape_cast %get3A_273 : vector<1x16xf32> to vector<16xf32>
          %add3A_275 = arith.addf %add3A_250, %get3A_274 : vector<16xf32>
          %get3A_276 = arith.index_cast %add3A_270 : i32 to index
          %get3A_277 = arith.constant 16 : index
          %get3A_278 = tpu.vector_load %arg7[%get3A_276, %get3A_277] {strides = array<i32>} : memref<400x64xf32, #tpu.memory_space<vmem>>, vector<1x16xf32>,
          %get3A_279 = vector.shape_cast %get3A_278 : vector<1x16xf32> to vector<16xf32>
          %add3A_280 = arith.addf %add3A_255, %get3A_279 : vector<16xf32>
          %get3A_281 = arith.index_cast %add3A_270 : i32 to index
          %get3A_282 = arith.constant 32 : index
          %get3A_283 = tpu.vector_load %arg7[%get3A_281, %get3A_282] {strides = array<i32>} : memref<400x64xf32, #tpu.memory_space<vmem>>, vector<1x16xf32>,
          %get3A_284 = vector.shape_cast %get3A_283 : vector<1x16xf32> to vector<16xf32>
          %add3A_285 = arith.addf %add3A_260, %get3A_284 : vector<16xf32>
          %get3A_286 = arith.index_cast %add3A_270 : i32 to index
          %get3A_287 = arith.constant 48 : index
          %get3A_288 = tpu.vector_load %arg7[%get3A_286, %get3A_287] {strides = array<i32>} : memref<400x64xf32, #tpu.memory_space<vmem>>, vector<1x16xf32>,
          %get3A_289 = vector.shape_cast %get3A_288 : vector<1x16xf32> to vector<16xf32>
          %add3A_290 = arith.addf %add3A_265, %get3A_289 : vector<16xf32>
          %scan3A_291 = arith.constant 8 : i32
          %scan3A_292 = arith.addi %scan3A_89, %scan3A_291 : i32
          %mul3A_293 = arith.constant 50 : i32
          %mul3A_294 = arith.muli %scan3A_50, %mul3A_293 : i32
          %add3A_295 = arith.addi %mul3A_294, %scan3A_292 : i32
          %get3A_296 = arith.index_cast %add3A_295 : i32 to index
          %get3A_297 = arith.constant 0 : index
          %get3A_298 = tpu.vector_load %arg7[%get3A_296, %get3A_297] {strides = array<i32>} : memref<400x64xf32, #tpu.memory_space<vmem>>, vector<1x16xf32>,
          %get3A_299 = vector.shape_cast %get3A_298 : vector<1x16xf32> to vector<16xf32>
          %add3A_300 = arith.addf %add3A_275, %get3A_299 : vector<16xf32>
          %get3A_301 = arith.index_cast %add3A_295 : i32 to index
          %get3A_302 = arith.constant 16 : index
          %get3A_303 = tpu.vector_load %arg7[%get3A_301, %get3A_302] {strides = array<i32>} : memref<400x64xf32, #tpu.memory_space<vmem>>, vector<1x16xf32>,
          %get3A_304 = vector.shape_cast %get3A_303 : vector<1x16xf32> to vector<16xf32>
          %add3A_305 = arith.addf %add3A_280, %get3A_304 : vector<16xf32>
          %get3A_306 = arith.index_cast %add3A_295 : i32 to index
          %get3A_307 = arith.constant 32 : index
          %get3A_308 = tpu.vector_load %arg7[%get3A_306, %get3A_307] {strides = array<i32>} : memref<400x64xf32, #tpu.memory_space<vmem>>, vector<1x16xf32>,
          %get3A_309 = vector.shape_cast %get3A_308 : vector<1x16xf32> to vector<16xf32>
          %add3A_310 = arith.addf %add3A_285, %get3A_309 : vector<16xf32>
          %get3A_311 = arith.index_cast %add3A_295 : i32 to index
          %get3A_312 = arith.constant 48 : index
          %get3A_313 = tpu.vector_load %arg7[%get3A_311, %get3A_312] {strides = array<i32>} : memref<400x64xf32, #tpu.memory_space<vmem>>, vector<1x16xf32>,
          %get3A_314 = vector.shape_cast %get3A_313 : vector<1x16xf32> to vector<16xf32>
          %add3A_315 = arith.addf %add3A_290, %get3A_314 : vector<16xf32>
          %scan3A_316 = arith.constant 9 : i32
          %scan3A_317 = arith.addi %scan3A_89, %scan3A_316 : i32
          %mul3A_318 = arith.constant 50 : i32
          %mul3A_319 = arith.muli %scan3A_50, %mul3A_318 : i32
          %add3A_320 = arith.addi %mul3A_319, %scan3A_317 : i32
          %get3A_321 = arith.index_cast %add3A_320 : i32 to index
          %get3A_322 = arith.constant 0 : index
          %get3A_323 = tpu.vector_load %arg7[%get3A_321, %get3A_322] {strides = array<i32>} : memref<400x64xf32, #tpu.memory_space<vmem>>, vector<1x16xf32>,
          %get3A_324 = vector.shape_cast %get3A_323 : vector<1x16xf32> to vector<16xf32>
          %add3A_325 = arith.addf %add3A_300, %get3A_324 : vector<16xf32>
          %get3A_326 = arith.index_cast %add3A_320 : i32 to index
          %get3A_327 = arith.constant 16 : index
          %get3A_328 = tpu.vector_load %arg7[%get3A_326, %get3A_327] {strides = array<i32>} : memref<400x64xf32, #tpu.memory_space<vmem>>, vector<1x16xf32>,
          %get3A_329 = vector.shape_cast %get3A_328 : vector<1x16xf32> to vector<16xf32>
          %add3A_330 = arith.addf %add3A_305, %get3A_329 : vector<16xf32>
          %get3A_331 = arith.index_cast %add3A_320 : i32 to index
          %get3A_332 = arith.constant 32 : index
          %get3A_333 = tpu.vector_load %arg7[%get3A_331, %get3A_332] {strides = array<i32>} : memref<400x64xf32, #tpu.memory_space<vmem>>, vector<1x16xf32>,
          %get3A_334 = vector.shape_cast %get3A_333 : vector<1x16xf32> to vector<16xf32>
          %add3A_335 = arith.addf %add3A_310, %get3A_334 : vector<16xf32>
          %get3A_336 = arith.index_cast %add3A_320 : i32 to index
          %get3A_337 = arith.constant 48 : index
          %get3A_338 = tpu.vector_load %arg7[%get3A_336, %get3A_337] {strides = array<i32>} : memref<400x64xf32, #tpu.memory_space<vmem>>, vector<1x16xf32>,
          %get3A_339 = vector.shape_cast %get3A_338 : vector<1x16xf32> to vector<16xf32>
          %add3A_340 = arith.addf %add3A_315, %get3A_339 : vector<16xf32>
          %scan3A_341 = arith.constant 10 : i32
          %scan3A_342 = arith.addi %scan3A_89, %scan3A_341 : i32
          %mul3A_343 = arith.constant 50 : i32
          %mul3A_344 = arith.muli %scan3A_50, %mul3A_343 : i32
          %add3A_345 = arith.addi %mul3A_344, %scan3A_342 : i32
          %get3A_346 = arith.index_cast %add3A_345 : i32 to index
          %get3A_347 = arith.constant 0 : index
          %get3A_348 = tpu.vector_load %arg7[%get3A_346, %get3A_347] {strides = array<i32>} : memref<400x64xf32, #tpu.memory_space<vmem>>, vector<1x16xf32>,
          %get3A_349 = vector.shape_cast %get3A_348 : vector<1x16xf32> to vector<16xf32>
          %add3A_350 = arith.addf %add3A_325, %get3A_349 : vector<16xf32>
          %get3A_351 = arith.index_cast %add3A_345 : i32 to index
          %get3A_352 = arith.constant 16 : index
          %get3A_353 = tpu.vector_load %arg7[%get3A_351, %get3A_352] {strides = array<i32>} : memref<400x64xf32, #tpu.memory_space<vmem>>, vector<1x16xf32>,
          %get3A_354 = vector.shape_cast %get3A_353 : vector<1x16xf32> to vector<16xf32>
          %add3A_355 = arith.addf %add3A_330, %get3A_354 : vector<16xf32>
          %get3A_356 = arith.index_cast %add3A_345 : i32 to index
          %get3A_357 = arith.constant 32 : index
          %get3A_358 = tpu.vector_load %arg7[%get3A_356, %get3A_357] {strides = array<i32>} : memref<400x64xf32, #tpu.memory_space<vmem>>, vector<1x16xf32>,
          %get3A_359 = vector.shape_cast %get3A_358 : vector<1x16xf32> to vector<16xf32>
          %add3A_360 = arith.addf %add3A_335, %get3A_359 : vector<16xf32>
          %get3A_361 = arith.index_cast %add3A_345 : i32 to index
          %get3A_362 = arith.constant 48 : index
          %get3A_363 = tpu.vector_load %arg7[%get3A_361, %get3A_362] {strides = array<i32>} : memref<400x64xf32, #tpu.memory_space<vmem>>, vector<1x16xf32>,
          %get3A_364 = vector.shape_cast %get3A_363 : vector<1x16xf32> to vector<16xf32>
          %add3A_365 = arith.addf %add3A_340, %get3A_364 : vector<16xf32>
          %scan3A_366 = arith.constant 11 : i32
          %scan3A_367 = arith.addi %scan3A_89, %scan3A_366 : i32
          %mul3A_368 = arith.constant 50 : i32
          %mul3A_369 = arith.muli %scan3A_50, %mul3A_368 : i32
          %add3A_370 = arith.addi %mul3A_369, %scan3A_367 : i32
          %get3A_371 = arith.index_cast %add3A_370 : i32 to index
          %get3A_372 = arith.constant 0 : index
          %get3A_373 = tpu.vector_load %arg7[%get3A_371, %get3A_372] {strides = array<i32>} : memref<400x64xf32, #tpu.memory_space<vmem>>, vector<1x16xf32>,
          %get3A_374 = vector.shape_cast %get3A_373 : vector<1x16xf32> to vector<16xf32>
          %add3A_375 = arith.addf %add3A_350, %get3A_374 : vector<16xf32>
          %get3A_376 = arith.index_cast %add3A_370 : i32 to index
          %get3A_377 = arith.constant 16 : index
          %get3A_378 = tpu.vector_load %arg7[%get3A_376, %get3A_377] {strides = array<i32>} : memref<400x64xf32, #tpu.memory_space<vmem>>, vector<1x16xf32>,
          %get3A_379 = vector.shape_cast %get3A_378 : vector<1x16xf32> to vector<16xf32>
          %add3A_380 = arith.addf %add3A_355, %get3A_379 : vector<16xf32>
          %get3A_381 = arith.index_cast %add3A_370 : i32 to index
          %get3A_382 = arith.constant 32 : index
          %get3A_383 = tpu.vector_load %arg7[%get3A_381, %get3A_382] {strides = array<i32>} : memref<400x64xf32, #tpu.memory_space<vmem>>, vector<1x16xf32>,
          %get3A_384 = vector.shape_cast %get3A_383 : vector<1x16xf32> to vector<16xf32>
          %add3A_385 = arith.addf %add3A_360, %get3A_384 : vector<16xf32>
          %get3A_386 = arith.index_cast %add3A_370 : i32 to index
          %get3A_387 = arith.constant 48 : index
          %get3A_388 = tpu.vector_load %arg7[%get3A_386, %get3A_387] {strides = array<i32>} : memref<400x64xf32, #tpu.memory_space<vmem>>, vector<1x16xf32>,
          %get3A_389 = vector.shape_cast %get3A_388 : vector<1x16xf32> to vector<16xf32>
          %add3A_390 = arith.addf %add3A_365, %get3A_389 : vector<16xf32>
          %scan3A_391 = arith.constant 12 : i32
          %scan3A_392 = arith.addi %scan3A_89, %scan3A_391 : i32
          %mul3A_393 = arith.constant 50 : i32
          %mul3A_394 = arith.muli %scan3A_50, %mul3A_393 : i32
          %add3A_395 = arith.addi %mul3A_394, %scan3A_392 : i32
          %get3A_396 = arith.index_cast %add3A_395 : i32 to index
          %get3A_397 = arith.constant 0 : index
          %get3A_398 = tpu.vector_load %arg7[%get3A_396, %get3A_397] {strides = array<i32>} : memref<400x64xf32, #tpu.memory_space<vmem>>, vector<1x16xf32>,
          %get3A_399 = vector.shape_cast %get3A_398 : vector<1x16xf32> to vector<16xf32>
          %add3A_400 = arith.addf %add3A_375, %get3A_399 : vector<16xf32>
          %get3A_401 = arith.index_cast %add3A_395 : i32 to index
          %get3A_402 = arith.constant 16 : index
          %get3A_403 = tpu.vector_load %arg7[%get3A_401, %get3A_402] {strides = array<i32>} : memref<400x64xf32, #tpu.memory_space<vmem>>, vector<1x16xf32>,
          %get3A_404 = vector.shape_cast %get3A_403 : vector<1x16xf32> to vector<16xf32>
          %add3A_405 = arith.addf %add3A_380, %get3A_404 : vector<16xf32>
          %get3A_406 = arith.index_cast %add3A_395 : i32 to index
          %get3A_407 = arith.constant 32 : index
          %get3A_408 = tpu.vector_load %arg7[%get3A_406, %get3A_407] {strides = array<i32>} : memref<400x64xf32, #tpu.memory_space<vmem>>, vector<1x16xf32>,
          %get3A_409 = vector.shape_cast %get3A_408 : vector<1x16xf32> to vector<16xf32>
          %add3A_410 = arith.addf %add3A_385, %get3A_409 : vector<16xf32>
          %get3A_411 = arith.index_cast %add3A_395 : i32 to index
          %get3A_412 = arith.constant 48 : index
          %get3A_413 = tpu.vector_load %arg7[%get3A_411, %get3A_412] {strides = array<i32>} : memref<400x64xf32, #tpu.memory_space<vmem>>, vector<1x16xf32>,
          %get3A_414 = vector.shape_cast %get3A_413 : vector<1x16xf32> to vector<16xf32>
          %add3A_415 = arith.addf %add3A_390, %get3A_414 : vector<16xf32>
          %scan3A_416 = arith.constant 13 : i32
          %scan3A_417 = arith.addi %scan3A_89, %scan3A_416 : i32
          %mul3A_418 = arith.constant 50 : i32
          %mul3A_419 = arith.muli %scan3A_50, %mul3A_418 : i32
          %add3A_420 = arith.addi %mul3A_419, %scan3A_417 : i32
          %get3A_421 = arith.index_cast %add3A_420 : i32 to index
          %get3A_422 = arith.constant 0 : index
          %get3A_423 = tpu.vector_load %arg7[%get3A_421, %get3A_422] {strides = array<i32>} : memref<400x64xf32, #tpu.memory_space<vmem>>, vector<1x16xf32>,
          %get3A_424 = vector.shape_cast %get3A_423 : vector<1x16xf32> to vector<16xf32>
          %add3A_425 = arith.addf %add3A_400, %get3A_424 : vector<16xf32>
          %get3A_426 = arith.index_cast %add3A_420 : i32 to index
          %get3A_427 = arith.constant 16 : index
          %get3A_428 = tpu.vector_load %arg7[%get3A_426, %get3A_427] {strides = array<i32>} : memref<400x64xf32, #tpu.memory_space<vmem>>, vector<1x16xf32>,
          %get3A_429 = vector.shape_cast %get3A_428 : vector<1x16xf32> to vector<16xf32>
          %add3A_430 = arith.addf %add3A_405, %get3A_429 : vector<16xf32>
          %get3A_431 = arith.index_cast %add3A_420 : i32 to index
          %get3A_432 = arith.constant 32 : index
          %get3A_433 = tpu.vector_load %arg7[%get3A_431, %get3A_432] {strides = array<i32>} : memref<400x64xf32, #tpu.memory_space<vmem>>, vector<1x16xf32>,
          %get3A_434 = vector.shape_cast %get3A_433 : vector<1x16xf32> to vector<16xf32>
          %add3A_435 = arith.addf %add3A_410, %get3A_434 : vector<16xf32>
          %get3A_436 = arith.index_cast %add3A_420 : i32 to index
          %get3A_437 = arith.constant 48 : index
          %get3A_438 = tpu.vector_load %arg7[%get3A_436, %get3A_437] {strides = array<i32>} : memref<400x64xf32, #tpu.memory_space<vmem>>, vector<1x16xf32>,
          %get3A_439 = vector.shape_cast %get3A_438 : vector<1x16xf32> to vector<16xf32>
          %add3A_440 = arith.addf %add3A_415, %get3A_439 : vector<16xf32>
          %scan3A_441 = arith.constant 14 : i32
          %scan3A_442 = arith.addi %scan3A_89, %scan3A_441 : i32
          %mul3A_443 = arith.constant 50 : i32
          %mul3A_444 = arith.muli %scan3A_50, %mul3A_443 : i32
          %add3A_445 = arith.addi %mul3A_444, %scan3A_442 : i32
          %get3A_446 = arith.index_cast %add3A_445 : i32 to index
          %get3A_447 = arith.constant 0 : index
          %get3A_448 = tpu.vector_load %arg7[%get3A_446, %get3A_447] {strides = array<i32>} : memref<400x64xf32, #tpu.memory_space<vmem>>, vector<1x16xf32>,
          %get3A_449 = vector.shape_cast %get3A_448 : vector<1x16xf32> to vector<16xf32>
          %add3A_450 = arith.addf %add3A_425, %get3A_449 : vector<16xf32>
          %get3A_451 = arith.index_cast %add3A_445 : i32 to index
          %get3A_452 = arith.constant 16 : index
          %get3A_453 = tpu.vector_load %arg7[%get3A_451, %get3A_452] {strides = array<i32>} : memref<400x64xf32, #tpu.memory_space<vmem>>, vector<1x16xf32>,
          %get3A_454 = vector.shape_cast %get3A_453 : vector<1x16xf32> to vector<16xf32>
          %add3A_455 = arith.addf %add3A_430, %get3A_454 : vector<16xf32>
          %get3A_456 = arith.index_cast %add3A_445 : i32 to index
          %get3A_457 = arith.constant 32 : index
          %get3A_458 = tpu.vector_load %arg7[%get3A_456, %get3A_457] {strides = array<i32>} : memref<400x64xf32, #tpu.memory_space<vmem>>, vector<1x16xf32>,
          %get3A_459 = vector.shape_cast %get3A_458 : vector<1x16xf32> to vector<16xf32>
          %add3A_460 = arith.addf %add3A_435, %get3A_459 : vector<16xf32>
          %get3A_461 = arith.index_cast %add3A_445 : i32 to index
          %get3A_462 = arith.constant 48 : index
          %get3A_463 = tpu.vector_load %arg7[%get3A_461, %get3A_462] {strides = array<i32>} : memref<400x64xf32, #tpu.memory_space<vmem>>, vector<1x16xf32>,
          %get3A_464 = vector.shape_cast %get3A_463 : vector<1x16xf32> to vector<16xf32>
          %add3A_465 = arith.addf %add3A_440, %get3A_464 : vector<16xf32>
          %scan3A_466 = arith.constant 15 : i32
          %scan3A_467 = arith.addi %scan3A_89, %scan3A_466 : i32
          %mul3A_468 = arith.constant 50 : i32
          %mul3A_469 = arith.muli %scan3A_50, %mul3A_468 : i32
          %add3A_470 = arith.addi %mul3A_469, %scan3A_467 : i32
          %get3A_471 = arith.index_cast %add3A_470 : i32 to index
          %get3A_472 = arith.constant 0 : index
          %get3A_473 = tpu.vector_load %arg7[%get3A_471, %get3A_472] {strides = array<i32>} : memref<400x64xf32, #tpu.memory_space<vmem>>, vector<1x16xf32>,
          %get3A_474 = vector.shape_cast %get3A_473 : vector<1x16xf32> to vector<16xf32>
          %add3A_475 = arith.addf %add3A_450, %get3A_474 : vector<16xf32>
          %get3A_476 = arith.index_cast %add3A_470 : i32 to index
          %get3A_477 = arith.constant 16 : index
          %get3A_478 = tpu.vector_load %arg7[%get3A_476, %get3A_477] {strides = array<i32>} : memref<400x64xf32, #tpu.memory_space<vmem>>, vector<1x16xf32>,
          %get3A_479 = vector.shape_cast %get3A_478 : vector<1x16xf32> to vector<16xf32>
          %add3A_480 = arith.addf %add3A_455, %get3A_479 : vector<16xf32>
          %get3A_481 = arith.index_cast %add3A_470 : i32 to index
          %get3A_482 = arith.constant 32 : index
          %get3A_483 = tpu.vector_load %arg7[%get3A_481, %get3A_482] {strides = array<i32>} : memref<400x64xf32, #tpu.memory_space<vmem>>, vector<1x16xf32>,
          %get3A_484 = vector.shape_cast %get3A_483 : vector<1x16xf32> to vector<16xf32>
          %add3A_485 = arith.addf %add3A_460, %get3A_484 : vector<16xf32>
          %get3A_486 = arith.index_cast %add3A_470 : i32 to index
          %get3A_487 = arith.constant 48 : index
          %get3A_488 = tpu.vector_load %arg7[%get3A_486, %get3A_487] {strides = array<i32>} : memref<400x64xf32, #tpu.memory_space<vmem>>, vector<1x16xf32>,
          %get3A_489 = vector.shape_cast %get3A_488 : vector<1x16xf32> to vector<16xf32>
          %add3A_490 = arith.addf %add3A_465, %get3A_489 : vector<16xf32>
          %scan3A_491 = arith.constant 16 : i32
          %scan3A_492 = arith.addi %scan3A_89, %scan3A_491 : i32
          %mul3A_493 = arith.constant 50 : i32
          %mul3A_494 = arith.muli %scan3A_50, %mul3A_493 : i32
          %add3A_495 = arith.addi %mul3A_494, %scan3A_492 : i32
          %get3A_496 = arith.index_cast %add3A_495 : i32 to index
          %get3A_497 = arith.constant 0 : index
          %get3A_498 = tpu.vector_load %arg7[%get3A_496, %get3A_497] {strides = array<i32>} : memref<400x64xf32, #tpu.memory_space<vmem>>, vector<1x16xf32>,
          %get3A_499 = vector.shape_cast %get3A_498 : vector<1x16xf32> to vector<16xf32>
          %add3A_500 = arith.addf %add3A_475, %get3A_499 : vector<16xf32>
          %get3A_501 = arith.index_cast %add3A_495 : i32 to index
          %get3A_502 = arith.constant 16 : index
          %get3A_503 = tpu.vector_load %arg7[%get3A_501, %get3A_502] {strides = array<i32>} : memref<400x64xf32, #tpu.memory_space<vmem>>, vector<1x16xf32>,
          %get3A_504 = vector.shape_cast %get3A_503 : vector<1x16xf32> to vector<16xf32>
          %add3A_505 = arith.addf %add3A_480, %get3A_504 : vector<16xf32>
          %get3A_506 = arith.index_cast %add3A_495 : i32 to index
          %get3A_507 = arith.constant 32 : index
          %get3A_508 = tpu.vector_load %arg7[%get3A_506, %get3A_507] {strides = array<i32>} : memref<400x64xf32, #tpu.memory_space<vmem>>, vector<1x16xf32>,
          %get3A_509 = vector.shape_cast %get3A_508 : vector<1x16xf32> to vector<16xf32>
          %add3A_510 = arith.addf %add3A_485, %get3A_509 : vector<16xf32>
          %get3A_511 = arith.index_cast %add3A_495 : i32 to index
          %get3A_512 = arith.constant 48 : index
          %get3A_513 = tpu.vector_load %arg7[%get3A_511, %get3A_512] {strides = array<i32>} : memref<400x64xf32, #tpu.memory_space<vmem>>, vector<1x16xf32>,
          %get3A_514 = vector.shape_cast %get3A_513 : vector<1x16xf32> to vector<16xf32>
          %add3A_515 = arith.addf %add3A_490, %get3A_514 : vector<16xf32>
          %scan3A_516 = arith.constant 17 : i32
          %scan3A_517 = arith.addi %scan3A_89, %scan3A_516 : i32
          %mul3A_518 = arith.constant 50 : i32
          %mul3A_519 = arith.muli %scan3A_50, %mul3A_518 : i32
          %add3A_520 = arith.addi %mul3A_519, %scan3A_517 : i32
          %get3A_521 = arith.index_cast %add3A_520 : i32 to index
          %get3A_522 = arith.constant 0 : index
          %get3A_523 = tpu.vector_load %arg7[%get3A_521, %get3A_522] {strides = array<i32>} : memref<400x64xf32, #tpu.memory_space<vmem>>, vector<1x16xf32>,
          %get3A_524 = vector.shape_cast %get3A_523 : vector<1x16xf32> to vector<16xf32>
          %add3A_525 = arith.addf %add3A_500, %get3A_524 : vector<16xf32>
          %get3A_526 = arith.index_cast %add3A_520 : i32 to index
          %get3A_527 = arith.constant 16 : index
          %get3A_528 = tpu.vector_load %arg7[%get3A_526, %get3A_527] {strides = array<i32>} : memref<400x64xf32, #tpu.memory_space<vmem>>, vector<1x16xf32>,
          %get3A_529 = vector.shape_cast %get3A_528 : vector<1x16xf32> to vector<16xf32>
          %add3A_530 = arith.addf %add3A_505, %get3A_529 : vector<16xf32>
          %get3A_531 = arith.index_cast %add3A_520 : i32 to index
          %get3A_532 = arith.constant 32 : index
          %get3A_533 = tpu.vector_load %arg7[%get3A_531, %get3A_532] {strides = array<i32>} : memref<400x64xf32, #tpu.memory_space<vmem>>, vector<1x16xf32>,
          %get3A_534 = vector.shape_cast %get3A_533 : vector<1x16xf32> to vector<16xf32>
          %add3A_535 = arith.addf %add3A_510, %get3A_534 : vector<16xf32>
          %get3A_536 = arith.index_cast %add3A_520 : i32 to index
          %get3A_537 = arith.constant 48 : index
          %get3A_538 = tpu.vector_load %arg7[%get3A_536, %get3A_537] {strides = array<i32>} : memref<400x64xf32, #tpu.memory_space<vmem>>, vector<1x16xf32>,
          %get3A_539 = vector.shape_cast %get3A_538 : vector<1x16xf32> to vector<16xf32>
          %add3A_540 = arith.addf %add3A_515, %get3A_539 : vector<16xf32>
          %scan3A_541 = arith.constant 18 : i32
          %scan3A_542 = arith.addi %scan3A_89, %scan3A_541 : i32
          %mul3A_543 = arith.constant 50 : i32
          %mul3A_544 = arith.muli %scan3A_50, %mul3A_543 : i32
          %add3A_545 = arith.addi %mul3A_544, %scan3A_542 : i32
          %get3A_546 = arith.index_cast %add3A_545 : i32 to index
          %get3A_547 = arith.constant 0 : index
          %get3A_548 = tpu.vector_load %arg7[%get3A_546, %get3A_547] {strides = array<i32>} : memref<400x64xf32, #tpu.memory_space<vmem>>, vector<1x16xf32>,
          %get3A_549 = vector.shape_cast %get3A_548 : vector<1x16xf32> to vector<16xf32>
          %add3A_550 = arith.addf %add3A_525, %get3A_549 : vector<16xf32>
          %get3A_551 = arith.index_cast %add3A_545 : i32 to index
          %get3A_552 = arith.constant 16 : index
          %get3A_553 = tpu.vector_load %arg7[%get3A_551, %get3A_552] {strides = array<i32>} : memref<400x64xf32, #tpu.memory_space<vmem>>, vector<1x16xf32>,
          %get3A_554 = vector.shape_cast %get3A_553 : vector<1x16xf32> to vector<16xf32>
          %add3A_555 = arith.addf %add3A_530, %get3A_554 : vector<16xf32>
          %get3A_556 = arith.index_cast %add3A_545 : i32 to index
          %get3A_557 = arith.constant 32 : index
          %get3A_558 = tpu.vector_load %arg7[%get3A_556, %get3A_557] {strides = array<i32>} : memref<400x64xf32, #tpu.memory_space<vmem>>, vector<1x16xf32>,
          %get3A_559 = vector.shape_cast %get3A_558 : vector<1x16xf32> to vector<16xf32>
          %add3A_560 = arith.addf %add3A_535, %get3A_559 : vector<16xf32>
          %get3A_561 = arith.index_cast %add3A_545 : i32 to index
          %get3A_562 = arith.constant 48 : index
          %get3A_563 = tpu.vector_load %arg7[%get3A_561, %get3A_562] {strides = array<i32>} : memref<400x64xf32, #tpu.memory_space<vmem>>, vector<1x16xf32>,
          %get3A_564 = vector.shape_cast %get3A_563 : vector<1x16xf32> to vector<16xf32>
          %add3A_565 = arith.addf %add3A_540, %get3A_564 : vector<16xf32>
          %scan3A_566 = arith.constant 19 : i32
          %scan3A_567 = arith.addi %scan3A_89, %scan3A_566 : i32
          %mul3A_568 = arith.constant 50 : i32
          %mul3A_569 = arith.muli %scan3A_50, %mul3A_568 : i32
          %add3A_570 = arith.addi %mul3A_569, %scan3A_567 : i32
          %get3A_571 = arith.index_cast %add3A_570 : i32 to index
          %get3A_572 = arith.constant 0 : index
          %get3A_573 = tpu.vector_load %arg7[%get3A_571, %get3A_572] {strides = array<i32>} : memref<400x64xf32, #tpu.memory_space<vmem>>, vector<1x16xf32>,
          %get3A_574 = vector.shape_cast %get3A_573 : vector<1x16xf32> to vector<16xf32>
          %add3A_575 = arith.addf %add3A_550, %get3A_574 : vector<16xf32>
          %get3A_576 = arith.index_cast %add3A_570 : i32 to index
          %get3A_577 = arith.constant 16 : index
          %get3A_578 = tpu.vector_load %arg7[%get3A_576, %get3A_577] {strides = array<i32>} : memref<400x64xf32, #tpu.memory_space<vmem>>, vector<1x16xf32>,
          %get3A_579 = vector.shape_cast %get3A_578 : vector<1x16xf32> to vector<16xf32>
          %add3A_580 = arith.addf %add3A_555, %get3A_579 : vector<16xf32>
          %get3A_581 = arith.index_cast %add3A_570 : i32 to index
          %get3A_582 = arith.constant 32 : index
          %get3A_583 = tpu.vector_load %arg7[%get3A_581, %get3A_582] {strides = array<i32>} : memref<400x64xf32, #tpu.memory_space<vmem>>, vector<1x16xf32>,
          %get3A_584 = vector.shape_cast %get3A_583 : vector<1x16xf32> to vector<16xf32>
          %add3A_585 = arith.addf %add3A_560, %get3A_584 : vector<16xf32>
          %get3A_586 = arith.index_cast %add3A_570 : i32 to index
          %get3A_587 = arith.constant 48 : index
          %get3A_588 = tpu.vector_load %arg7[%get3A_586, %get3A_587] {strides = array<i32>} : memref<400x64xf32, #tpu.memory_space<vmem>>, vector<1x16xf32>,
          %get3A_589 = vector.shape_cast %get3A_588 : vector<1x16xf32> to vector<16xf32>
          %add3A_590 = arith.addf %add3A_565, %get3A_589 : vector<16xf32>
          %scan3A_591 = arith.constant 20 : i32
          %scan3A_592 = arith.addi %scan3A_89, %scan3A_591 : i32
          %mul3A_593 = arith.constant 50 : i32
          %mul3A_594 = arith.muli %scan3A_50, %mul3A_593 : i32
          %add3A_595 = arith.addi %mul3A_594, %scan3A_592 : i32
          %get3A_596 = arith.index_cast %add3A_595 : i32 to index
          %get3A_597 = arith.constant 0 : index
          %get3A_598 = tpu.vector_load %arg7[%get3A_596, %get3A_597] {strides = array<i32>} : memref<400x64xf32, #tpu.memory_space<vmem>>, vector<1x16xf32>,
          %get3A_599 = vector.shape_cast %get3A_598 : vector<1x16xf32> to vector<16xf32>
          %add3A_600 = arith.addf %add3A_575, %get3A_599 : vector<16xf32>
          %get3A_601 = arith.index_cast %add3A_595 : i32 to index
          %get3A_602 = arith.constant 16 : index
          %get3A_603 = tpu.vector_load %arg7[%get3A_601, %get3A_602] {strides = array<i32>} : memref<400x64xf32, #tpu.memory_space<vmem>>, vector<1x16xf32>,
          %get3A_604 = vector.shape_cast %get3A_603 : vector<1x16xf32> to vector<16xf32>
          %add3A_605 = arith.addf %add3A_580, %get3A_604 : vector<16xf32>
          %get3A_606 = arith.index_cast %add3A_595 : i32 to index
          %get3A_607 = arith.constant 32 : index
          %get3A_608 = tpu.vector_load %arg7[%get3A_606, %get3A_607] {strides = array<i32>} : memref<400x64xf32, #tpu.memory_space<vmem>>, vector<1x16xf32>,
          %get3A_609 = vector.shape_cast %get3A_608 : vector<1x16xf32> to vector<16xf32>
          %add3A_610 = arith.addf %add3A_585, %get3A_609 : vector<16xf32>
          %get3A_611 = arith.index_cast %add3A_595 : i32 to index
          %get3A_612 = arith.constant 48 : index
          %get3A_613 = tpu.vector_load %arg7[%get3A_611, %get3A_612] {strides = array<i32>} : memref<400x64xf32, #tpu.memory_space<vmem>>, vector<1x16xf32>,
          %get3A_614 = vector.shape_cast %get3A_613 : vector<1x16xf32> to vector<16xf32>
          %add3A_615 = arith.addf %add3A_590, %get3A_614 : vector<16xf32>
          %scan3A_616 = arith.constant 21 : i32
          %scan3A_617 = arith.addi %scan3A_89, %scan3A_616 : i32
          %mul3A_618 = arith.constant 50 : i32
          %mul3A_619 = arith.muli %scan3A_50, %mul3A_618 : i32
          %add3A_620 = arith.addi %mul3A_619, %scan3A_617 : i32
          %get3A_621 = arith.index_cast %add3A_620 : i32 to index
          %get3A_622 = arith.constant 0 : index
          %get3A_623 = tpu.vector_load %arg7[%get3A_621, %get3A_622] {strides = array<i32>} : memref<400x64xf32, #tpu.memory_space<vmem>>, vector<1x16xf32>,
          %get3A_624 = vector.shape_cast %get3A_623 : vector<1x16xf32> to vector<16xf32>
          %add3A_625 = arith.addf %add3A_600, %get3A_624 : vector<16xf32>
          %get3A_626 = arith.index_cast %add3A_620 : i32 to index
          %get3A_627 = arith.constant 16 : index
          %get3A_628 = tpu.vector_load %arg7[%get3A_626, %get3A_627] {strides = array<i32>} : memref<400x64xf32, #tpu.memory_space<vmem>>, vector<1x16xf32>,
          %get3A_629 = vector.shape_cast %get3A_628 : vector<1x16xf32> to vector<16xf32>
          %add3A_630 = arith.addf %add3A_605, %get3A_629 : vector<16xf32>
          %get3A_631 = arith.index_cast %add3A_620 : i32 to index
          %get3A_632 = arith.constant 32 : index
          %get3A_633 = tpu.vector_load %arg7[%get3A_631, %get3A_632] {strides = array<i32>} : memref<400x64xf32, #tpu.memory_space<vmem>>, vector<1x16xf32>,
          %get3A_634 = vector.shape_cast %get3A_633 : vector<1x16xf32> to vector<16xf32>
          %add3A_635 = arith.addf %add3A_610, %get3A_634 : vector<16xf32>
          %get3A_636 = arith.index_cast %add3A_620 : i32 to index
          %get3A_637 = arith.constant 48 : index
          %get3A_638 = tpu.vector_load %arg7[%get3A_636, %get3A_637] {strides = array<i32>} : memref<400x64xf32, #tpu.memory_space<vmem>>, vector<1x16xf32>,
          %get3A_639 = vector.shape_cast %get3A_638 : vector<1x16xf32> to vector<16xf32>
          %add3A_640 = arith.addf %add3A_615, %get3A_639 : vector<16xf32>
          %scan3A_641 = arith.constant 22 : i32
          %scan3A_642 = arith.addi %scan3A_89, %scan3A_641 : i32
          %mul3A_643 = arith.constant 50 : i32
          %mul3A_644 = arith.muli %scan3A_50, %mul3A_643 : i32
          %add3A_645 = arith.addi %mul3A_644, %scan3A_642 : i32
          %get3A_646 = arith.index_cast %add3A_645 : i32 to index
          %get3A_647 = arith.constant 0 : index
          %get3A_648 = tpu.vector_load %arg7[%get3A_646, %get3A_647] {strides = array<i32>} : memref<400x64xf32, #tpu.memory_space<vmem>>, vector<1x16xf32>,
          %get3A_649 = vector.shape_cast %get3A_648 : vector<1x16xf32> to vector<16xf32>
          %add3A_650 = arith.addf %add3A_625, %get3A_649 : vector<16xf32>
          %get3A_651 = arith.index_cast %add3A_645 : i32 to index
          %get3A_652 = arith.constant 16 : index
          %get3A_653 = tpu.vector_load %arg7[%get3A_651, %get3A_652] {strides = array<i32>} : memref<400x64xf32, #tpu.memory_space<vmem>>, vector<1x16xf32>,
          %get3A_654 = vector.shape_cast %get3A_653 : vector<1x16xf32> to vector<16xf32>
          %add3A_655 = arith.addf %add3A_630, %get3A_654 : vector<16xf32>
          %get3A_656 = arith.index_cast %add3A_645 : i32 to index
          %get3A_657 = arith.constant 32 : index
          %get3A_658 = tpu.vector_load %arg7[%get3A_656, %get3A_657] {strides = array<i32>} : memref<400x64xf32, #tpu.memory_space<vmem>>, vector<1x16xf32>,
          %get3A_659 = vector.shape_cast %get3A_658 : vector<1x16xf32> to vector<16xf32>
          %add3A_660 = arith.addf %add3A_635, %get3A_659 : vector<16xf32>
          %get3A_661 = arith.index_cast %add3A_645 : i32 to index
          %get3A_662 = arith.constant 48 : index
          %get3A_663 = tpu.vector_load %arg7[%get3A_661, %get3A_662] {strides = array<i32>} : memref<400x64xf32, #tpu.memory_space<vmem>>, vector<1x16xf32>,
          %get3A_664 = vector.shape_cast %get3A_663 : vector<1x16xf32> to vector<16xf32>
          %add3A_665 = arith.addf %add3A_640, %get3A_664 : vector<16xf32>
          %scan3A_666 = arith.constant 23 : i32
          %scan3A_667 = arith.addi %scan3A_89, %scan3A_666 : i32
          %mul3A_668 = arith.constant 50 : i32
          %mul3A_669 = arith.muli %scan3A_50, %mul3A_668 : i32
          %add3A_670 = arith.addi %mul3A_669, %scan3A_667 : i32
          %get3A_671 = arith.index_cast %add3A_670 : i32 to index
          %get3A_672 = arith.constant 0 : index
          %get3A_673 = tpu.vector_load %arg7[%get3A_671, %get3A_672] {strides = array<i32>} : memref<400x64xf32, #tpu.memory_space<vmem>>, vector<1x16xf32>,
          %get3A_674 = vector.shape_cast %get3A_673 : vector<1x16xf32> to vector<16xf32>
          %add3A_675 = arith.addf %add3A_650, %get3A_674 : vector<16xf32>
          %get3A_676 = arith.index_cast %add3A_670 : i32 to index
          %get3A_677 = arith.constant 16 : index
          %get3A_678 = tpu.vector_load %arg7[%get3A_676, %get3A_677] {strides = array<i32>} : memref<400x64xf32, #tpu.memory_space<vmem>>, vector<1x16xf32>,
          %get3A_679 = vector.shape_cast %get3A_678 : vector<1x16xf32> to vector<16xf32>
          %add3A_680 = arith.addf %add3A_655, %get3A_679 : vector<16xf32>
          %get3A_681 = arith.index_cast %add3A_670 : i32 to index
          %get3A_682 = arith.constant 32 : index
          %get3A_683 = tpu.vector_load %arg7[%get3A_681, %get3A_682] {strides = array<i32>} : memref<400x64xf32, #tpu.memory_space<vmem>>, vector<1x16xf32>,
          %get3A_684 = vector.shape_cast %get3A_683 : vector<1x16xf32> to vector<16xf32>
          %add3A_685 = arith.addf %add3A_660, %get3A_684 : vector<16xf32>
          %get3A_686 = arith.index_cast %add3A_670 : i32 to index
          %get3A_687 = arith.constant 48 : index
          %get3A_688 = tpu.vector_load %arg7[%get3A_686, %get3A_687] {strides = array<i32>} : memref<400x64xf32, #tpu.memory_space<vmem>>, vector<1x16xf32>,
          %get3A_689 = vector.shape_cast %get3A_688 : vector<1x16xf32> to vector<16xf32>
          %add3A_690 = arith.addf %add3A_665, %get3A_689 : vector<16xf32>
          %scan3A_691 = arith.constant 24 : i32
          %scan3A_692 = arith.addi %scan3A_89, %scan3A_691 : i32
          %mul3A_693 = arith.constant 50 : i32
          %mul3A_694 = arith.muli %scan3A_50, %mul3A_693 : i32
          %add3A_695 = arith.addi %mul3A_694, %scan3A_692 : i32
          %get3A_696 = arith.index_cast %add3A_695 : i32 to index
          %get3A_697 = arith.constant 0 : index
          %get3A_698 = tpu.vector_load %arg7[%get3A_696, %get3A_697] {strides = array<i32>} : memref<400x64xf32, #tpu.memory_space<vmem>>, vector<1x16xf32>,
          %get3A_699 = vector.shape_cast %get3A_698 : vector<1x16xf32> to vector<16xf32>
          %add3A_700 = arith.addf %add3A_675, %get3A_699 : vector<16xf32>
          %get3A_701 = arith.index_cast %add3A_695 : i32 to index
          %get3A_702 = arith.constant 16 : index
          %get3A_703 = tpu.vector_load %arg7[%get3A_701, %get3A_702] {strides = array<i32>} : memref<400x64xf32, #tpu.memory_space<vmem>>, vector<1x16xf32>,
          %get3A_704 = vector.shape_cast %get3A_703 : vector<1x16xf32> to vector<16xf32>
          %add3A_705 = arith.addf %add3A_680, %get3A_704 : vector<16xf32>
          %get3A_706 = arith.index_cast %add3A_695 : i32 to index
          %get3A_707 = arith.constant 32 : index
          %get3A_708 = tpu.vector_load %arg7[%get3A_706, %get3A_707] {strides = array<i32>} : memref<400x64xf32, #tpu.memory_space<vmem>>, vector<1x16xf32>,
          %get3A_709 = vector.shape_cast %get3A_708 : vector<1x16xf32> to vector<16xf32>
          %add3A_710 = arith.addf %add3A_685, %get3A_709 : vector<16xf32>
          %get3A_711 = arith.index_cast %add3A_695 : i32 to index
          %get3A_712 = arith.constant 48 : index
          %get3A_713 = tpu.vector_load %arg7[%get3A_711, %get3A_712] {strides = array<i32>} : memref<400x64xf32, #tpu.memory_space<vmem>>, vector<1x16xf32>,
          %get3A_714 = vector.shape_cast %get3A_713 : vector<1x16xf32> to vector<16xf32>
          %add3A_715 = arith.addf %add3A_690, %get3A_714 : vector<16xf32>
          scf.yield %add3A_700, %add3A_705, %add3A_710, %add3A_715 : vector<16xf32>, vector<16xf32>, vector<16xf32>, vector<16xf32>
        }
        %scan3A_57 = arith.constant 50 : i32
        %mul3A_58 = arith.constant 8 : i32
        %mul3A_59 = arith.muli %add3A_43, %mul3A_58 : i32
        %add3A_60 = arith.addi %mul3A_59, %scan3A_50 : i32
        %swap3A = arith.index_cast %add3A_60 : i32 to index
        %swap3A_61 = arith.constant 0 : index
        %swap3A_62 = tpu.vector_load %arg8[%swap3A, %swap3A_61] {strides = array<i32>} : memref<640x64xf32, #tpu.memory_space<vmem>>, vector<1x16xf32>,
        %swap3A_63 = vector.shape_cast %swap3A_62 : vector<1x16xf32> to vector<16xf32>
        %swap3A_64 = vector.shape_cast %scan3A_56#0 : vector<16xf32> to vector<1x16xf32>
        tpu.vector_store %arg8[%swap3A, %swap3A_61], %swap3A_64 {strides = array<i32>} : memref<640x64xf32, #tpu.memory_space<vmem>>, vector<1x16xf32>,
        %mul3A_65 = arith.constant 8 : i32
        %mul3A_66 = arith.muli %add3A_43, %mul3A_65 : i32
        %add3A_67 = arith.addi %mul3A_66, %scan3A_50 : i32
        %swap3A_68 = arith.index_cast %add3A_67 : i32 to index
        %swap3A_69 = arith.constant 16 : index
        %swap3A_70 = tpu.vector_load %arg8[%swap3A_68, %swap3A_69] {strides = array<i32>} : memref<640x64xf32, #tpu.memory_space<vmem>>, vector<1x16xf32>,
        %swap3A_71 = vector.shape_cast %swap3A_70 : vector<1x16xf32> to vector<16xf32>
        %swap3A_72 = vector.shape_cast %scan3A_56#1 : vector<16xf32> to vector<1x16xf32>
        tpu.vector_store %arg8[%swap3A_68, %swap3A_69], %swap3A_72 {strides = array<i32>} : memref<640x64xf32, #tpu.memory_space<vmem>>, vector<1x16xf32>,
        %mul3A_73 = arith.constant 8 : i32
        %mul3A_74 = arith.muli %add3A_43, %mul3A_73 : i32
        %add3A_75 = arith.addi %mul3A_74, %scan3A_50 : i32
        %swap3A_76 = arith.index_cast %add3A_75 : i32 to index
        %swap3A_77 = arith.constant 32 : index
        %swap3A_78 = tpu.vector_load %arg8[%swap3A_76, %swap3A_77] {strides = array<i32>} : memref<640x64xf32, #tpu.memory_space<vmem>>, vector<1x16xf32>,
        %swap3A_79 = vector.shape_cast %swap3A_78 : vector<1x16xf32> to vector<16xf32>
        %swap3A_80 = vector.shape_cast %scan3A_56#2 : vector<16xf32> to vector<1x16xf32>
        tpu.vector_store %arg8[%swap3A_76, %swap3A_77], %swap3A_80 {strides = array<i32>} : memref<640x64xf32, #tpu.memory_space<vmem>>, vector<1x16xf32>,
        %mul3A_81 = arith.constant 8 : i32
        %mul3A_82 = arith.muli %add3A_43, %mul3A_81 : i32
        %add3A_83 = arith.addi %mul3A_82, %scan3A_50 : i32
        %swap3A_84 = arith.index_cast %add3A_83 : i32 to index
        %swap3A_85 = arith.constant 48 : index
        %swap3A_86 = tpu.vector_load %arg8[%swap3A_84, %swap3A_85] {strides = array<i32>} : memref<640x64xf32, #tpu.memory_space<vmem>>, vector<1x16xf32>,
        %swap3A_87 = vector.shape_cast %swap3A_86 : vector<1x16xf32> to vector<16xf32>
        %swap3A_88 = vector.shape_cast %scan3A_56#3 : vector<16xf32> to vector<1x16xf32>
        tpu.vector_store %arg8[%swap3A_84, %swap3A_85], %swap3A_88 {strides = array<i32>} : memref<640x64xf32, #tpu.memory_space<vmem>>, vector<1x16xf32>,
      }
      %scan3A_49 = arith.constant 8 : i32
    }
    %scan3A_11 = arith.constant 40 : i32
    %mul3A_12 = arith.constant 640 : i32
    %mul3A_13 = arith.muli %add3A, %mul3A_12 : i32
    "tpu.region"() ({
      %run_scoped3A = tpu.sem_alloc : memref<!tpu.dma_semaphore, #tpu.memory_space<semaphore_mem>>
      %dma_start3A_14 = arith.constant 0 : i32
      %dma_start3A_15 = tpu.memref_slice %arg4[%mul3A_13, %dma_start3A_14] : memref<20480x64xf32, #tpu.memory_space<hbm>> -> memref<640x64xf32, #tpu.memory_space<hbm>>
      %dma_start3A_16 = arith.constant 0 : i32
      %dma_start3A_17 = tpu.memref_slice %arg4[%mul3A_13, %dma_start3A_16] : memref<20480x64xf32, #tpu.memory_space<hbm>> -> memref<640x64xf32, #tpu.memory_space<hbm>>
      tpu.enqueue_dma source(%arg8 : memref<640x64xf32, #tpu.memory_space<vmem>>) target(%dma_start3A_17 : memref<640x64xf32, #tpu.memory_space<hbm>>) target_semaphore(%run_scoped3A : memref<!tpu.dma_semaphore, #tpu.memory_space<semaphore_mem>>)
      %dma_wait3A = arith.constant 0 : i32
      %dma_wait3A_18 = tpu.memref_slice %arg4[%mul3A_13, %dma_wait3A] : memref<20480x64xf32, #tpu.memory_space<hbm>> -> memref<640x64xf32, #tpu.memory_space<hbm>>
      %dma_wait3A_19 = arith.constant 0 : i32
      %dma_wait3A_20 = tpu.memref_slice %arg4[%mul3A_13, %dma_wait3A_19] : memref<20480x64xf32, #tpu.memory_space<hbm>> -> memref<640x64xf32, #tpu.memory_space<hbm>>
      tpu.wait_dma2 semaphore(%run_scoped3A : memref<!tpu.dma_semaphore, #tpu.memory_space<semaphore_mem>>) src(%arg8 : memref<640x64xf32, #tpu.memory_space<vmem>>) dst(%dma_wait3A_20 : memref<640x64xf32, #tpu.memory_space<hbm>>)
      tpu.yield
    }) : () -> ()
    return
  }
}

module attributes {stable_mosaic.version = 14 : i64} {
  func.func @body(%arg0: memref<20480x64xf32, #tpu.memory_space<vmem>>, %arg1: memref<4096x4xf32, #tpu.memory_space<vmem>>, %arg2: memref<4096x4xf32, #tpu.memory_space<vmem>>) attributes {dimension_semantics = [], scalar_prefetch = 0 : i64, scratch_operands = 0 : i64, tpu.core_type = #tpu.core_type<tc>} {
    %get3A = arith.constant 0 : index
    %get3A_0 = arith.constant 0 : index
    %get3A_1 = vector.load %arg0[%get3A, %get3A_0] : memref<20480x64xf32, #tpu.memory_space<vmem>>, vector<20480x64xf32>
    %mul3A = arith.constant 2.000000e-02 : f32
    %mul3A_2 = vector.broadcast %mul3A : f32 to vector<20480x64xf32>
    %mul3A_3 = arith.mulf %get3A_1, %mul3A_2 : vector<20480x64xf32>
    %slice3A = vector.extract_strided_slice %mul3A_3 {offsets = [0, 0], sizes = [4096, 64], strides = [1, 1]} : vector<20480x64xf32> to vector<4096x64xf32>
    %mul3A_4 = arith.mulf %slice3A, %slice3A : vector<4096x64xf32>
    %reduce_sum3A = arith.constant dense<0.000000e+00> : vector<4096xf32>
    %reduce_sum3A_5 = vector.multi_reduction <add>, %mul3A_4, %reduce_sum3A [1] : vector<4096x64xf32> to vector<4096xf32>
    %broadcast_in_dim3A = vector.shape_cast %reduce_sum3A_5 : vector<4096xf32> to vector<4096x1xf32>
    %slice3A_6 = vector.extract_strided_slice %mul3A_3 {offsets = [4096, 0], sizes = [4096, 64], strides = [1, 1]} : vector<20480x64xf32> to vector<4096x64xf32>
    %mul3A_7 = arith.mulf %slice3A, %slice3A_6 : vector<4096x64xf32>
    %reduce_sum3A_8 = arith.constant dense<0.000000e+00> : vector<4096xf32>
    %reduce_sum3A_9 = vector.multi_reduction <add>, %mul3A_7, %reduce_sum3A_8 [1] : vector<4096x64xf32> to vector<4096xf32>
    %broadcast_in_dim3A_10 = vector.shape_cast %reduce_sum3A_9 : vector<4096xf32> to vector<4096x1xf32>
    %mul3A_11 = arith.mulf %slice3A_6, %slice3A_6 : vector<4096x64xf32>
    %reduce_sum3A_12 = arith.constant dense<0.000000e+00> : vector<4096xf32>
    %reduce_sum3A_13 = vector.multi_reduction <add>, %mul3A_11, %reduce_sum3A_12 [1] : vector<4096x64xf32> to vector<4096xf32>
    %broadcast_in_dim3A_14 = vector.shape_cast %reduce_sum3A_13 : vector<4096xf32> to vector<4096x1xf32>
    %slice3A_15 = vector.extract_strided_slice %mul3A_3 {offsets = [8192, 0], sizes = [4096, 64], strides = [1, 1]} : vector<20480x64xf32> to vector<4096x64xf32>
    %mul3A_16 = arith.mulf %slice3A, %slice3A_15 : vector<4096x64xf32>
    %reduce_sum3A_17 = arith.constant dense<0.000000e+00> : vector<4096xf32>
    %reduce_sum3A_18 = vector.multi_reduction <add>, %mul3A_16, %reduce_sum3A_17 [1] : vector<4096x64xf32> to vector<4096xf32>
    %broadcast_in_dim3A_19 = vector.shape_cast %reduce_sum3A_18 : vector<4096xf32> to vector<4096x1xf32>
    %mul3A_20 = arith.mulf %slice3A_15, %slice3A_15 : vector<4096x64xf32>
    %reduce_sum3A_21 = arith.constant dense<0.000000e+00> : vector<4096xf32>
    %reduce_sum3A_22 = vector.multi_reduction <add>, %mul3A_20, %reduce_sum3A_21 [1] : vector<4096x64xf32> to vector<4096xf32>
    %broadcast_in_dim3A_23 = vector.shape_cast %reduce_sum3A_22 : vector<4096xf32> to vector<4096x1xf32>
    %slice3A_24 = vector.extract_strided_slice %mul3A_3 {offsets = [12288, 0], sizes = [4096, 64], strides = [1, 1]} : vector<20480x64xf32> to vector<4096x64xf32>
    %mul3A_25 = arith.mulf %slice3A, %slice3A_24 : vector<4096x64xf32>
    %reduce_sum3A_26 = arith.constant dense<0.000000e+00> : vector<4096xf32>
    %reduce_sum3A_27 = vector.multi_reduction <add>, %mul3A_25, %reduce_sum3A_26 [1] : vector<4096x64xf32> to vector<4096xf32>
    %broadcast_in_dim3A_28 = vector.shape_cast %reduce_sum3A_27 : vector<4096xf32> to vector<4096x1xf32>
    %mul3A_29 = arith.mulf %slice3A_24, %slice3A_24 : vector<4096x64xf32>
    %reduce_sum3A_30 = arith.constant dense<0.000000e+00> : vector<4096xf32>
    %reduce_sum3A_31 = vector.multi_reduction <add>, %mul3A_29, %reduce_sum3A_30 [1] : vector<4096x64xf32> to vector<4096xf32>
    %broadcast_in_dim3A_32 = vector.shape_cast %reduce_sum3A_31 : vector<4096xf32> to vector<4096x1xf32>
    %slice3A_33 = vector.extract_strided_slice %mul3A_3 {offsets = [16384, 0], sizes = [4096, 64], strides = [1, 1]} : vector<20480x64xf32> to vector<4096x64xf32>
    %mul3A_34 = arith.mulf %slice3A, %slice3A_33 : vector<4096x64xf32>
    %reduce_sum3A_35 = arith.constant dense<0.000000e+00> : vector<4096xf32>
    %reduce_sum3A_36 = vector.multi_reduction <add>, %mul3A_34, %reduce_sum3A_35 [1] : vector<4096x64xf32> to vector<4096xf32>
    %broadcast_in_dim3A_37 = vector.shape_cast %reduce_sum3A_36 : vector<4096xf32> to vector<4096x1xf32>
    %mul3A_38 = arith.mulf %slice3A_33, %slice3A_33 : vector<4096x64xf32>
    %reduce_sum3A_39 = arith.constant dense<0.000000e+00> : vector<4096xf32>
    %reduce_sum3A_40 = vector.multi_reduction <add>, %mul3A_38, %reduce_sum3A_39 [1] : vector<4096x64xf32> to vector<4096xf32>
    %broadcast_in_dim3A_41 = vector.shape_cast %reduce_sum3A_40 : vector<4096xf32> to vector<4096x1xf32>
    %concatenate3A = tpu.concatenate %broadcast_in_dim3A_10, %broadcast_in_dim3A_19, %broadcast_in_dim3A_28, %broadcast_in_dim3A_37 in 1 : vector<4096x1xf32>, vector<4096x1xf32>, vector<4096x1xf32>, vector<4096x1xf32> -> vector<4096x4xf32>
    %concatenate3A_42 = tpu.concatenate %broadcast_in_dim3A_14, %broadcast_in_dim3A_23, %broadcast_in_dim3A_32, %broadcast_in_dim3A_41 in 1 : vector<4096x1xf32>, vector<4096x1xf32>, vector<4096x1xf32>, vector<4096x1xf32> -> vector<4096x4xf32>
    %sqrt3A = math.sqrt %concatenate3A_42 : vector<4096x4xf32>
    %sqrt3A_43 = math.sqrt %broadcast_in_dim3A : vector<4096x1xf32>
    %mul3A_44 = vector.broadcast %sqrt3A_43 : vector<4096x1xf32> to vector<4096x4xf32>
    %mul3A_45 = arith.mulf %mul3A_44, %sqrt3A : vector<4096x4xf32>
    %add3A = arith.constant 9.99999993E-9 : f32
    %add3A_46 = vector.broadcast %add3A : f32 to vector<4096x4xf32>
    %add3A_47 = arith.addf %mul3A_45, %add3A_46 : vector<4096x4xf32>
    %div3A = arith.divf %concatenate3A, %add3A_47 : vector<4096x4xf32>
    %swap3A = arith.constant 0 : index
    %swap3A_48 = arith.constant 0 : index
    %swap3A_49 = vector.load %arg1[%swap3A, %swap3A_48] : memref<4096x4xf32, #tpu.memory_space<vmem>>, vector<4096x4xf32>
    tpu.vector_store %arg1[%swap3A, %swap3A_48], %div3A {strides = array<i32>} : memref<4096x4xf32, #tpu.memory_space<vmem>>, vector<4096x4xf32>,
    %reduce_max3A = arith.constant dense<0xFF800000> : vector<4096xf32>
    %reduce_max3A_50 = vector.multi_reduction <maximumf>, %div3A, %reduce_max3A [1] : vector<4096x4xf32> to vector<4096xf32>
    %broadcast_in_dim3A_51 = vector.shape_cast %reduce_max3A_50 : vector<4096xf32> to vector<4096x1xf32>
    %sub3A = vector.broadcast %broadcast_in_dim3A_51 : vector<4096x1xf32> to vector<4096x4xf32>
    %sub3A_52 = arith.subf %div3A, %sub3A : vector<4096x4xf32>
    %exp3A = math.exp %sub3A_52 : vector<4096x4xf32>
    %reduce_sum3A_53 = arith.constant dense<0.000000e+00> : vector<4096xf32>
    %reduce_sum3A_54 = vector.multi_reduction <add>, %exp3A, %reduce_sum3A_53 [1] : vector<4096x4xf32> to vector<4096xf32>
    %broadcast_in_dim3A_55 = vector.shape_cast %reduce_sum3A_54 : vector<4096xf32> to vector<4096x1xf32>
    %div3A_56 = vector.broadcast %broadcast_in_dim3A_55 : vector<4096x1xf32> to vector<4096x4xf32>
    %div3A_57 = arith.divf %exp3A, %div3A_56 : vector<4096x4xf32>
    %swap3A_58 = arith.constant 0 : index
    %swap3A_59 = arith.constant 0 : index
    %swap3A_60 = vector.load %arg2[%swap3A_58, %swap3A_59] : memref<4096x4xf32, #tpu.memory_space<vmem>>, vector<4096x4xf32>
    tpu.vector_store %arg2[%swap3A_58, %swap3A_59], %div3A_57 {strides = array<i32>} : memref<4096x4xf32, #tpu.memory_space<vmem>>, vector<4096x4xf32>,
    return
  }
}

</mosaic_0001>

<sc_bundles>
// kernel: kernel.4.cloned.1.call-start
scs
__scs_entry_jumppad:
0x0: {  	(pc) =	sbr.rel $0x88, $3  }
0x1: {  	(tag) =	ssettag $0x0;
	lr =	simm.s32 $0x1  }
0x2: {  	[smem:$0x3F9F] =	sst lr;
	_ =	strace $0xD0000000  }
0x3: {  	_ = 	snop  }
0x4: {  	_ = 	snop  }
0x5: {  	_ = 	snop  }
0x6: {  	_ = 	snop  }
0x7: {  	_ = 	snop  }
__scs_overlays_trampoline_lowered:
0x8: {  	[smem:$0x3FAE] =	sst s0  }
0x9: {  	[smem:$0x3FAF] =	sst s1  }
0xa: {  	[smem:$0x3FB0] =	sst s2  }
0xb: {  	[smem:$0x3FB1] =	sst s3  }
0xc: {  	[smem:$0x3FB2] =	sst s4  }
0xd: {  	[smem:$0x3FB3] =	sst s5  }
0xe: {  	[smem:$0x3FB4] =	sst s6  }
0xf: {  	[smem:$0x3FB5] =	sst s7  }
0x10: {  	[smem:$0x3FB6] =	sst s8  }
0x11: {  	[smem:$0x3FB7] =	sst s9;
	s0 =	simm.s32 @!p0 $0x0  }
0x12: {  	s1 =	sld [smem:$0x3F9D];
	s0 =	simm.s32 @p0 $0x1  }
0x13: {  	[smem:$0x3FB8] =	sst s0;
	s0 =	simm.s32 @!p1 $0x0  }
0x14: {  	s2 =	sld [smem:$0x3F9C];
	s0 =	simm.s32 @p1 $0x1  }
0x15: {  	[smem:$0x3FB9] =	sst s0;
	s0 =	simm.s32 @!p2 $0x0  }
0x16: {  	s3 =	sld [smem:$0x3FDB];
	s0 =	simm.s32 @p2 $0x1  }
0x17: {  	s4 =	simm.s32 $0x1BF5;
	[smem:$0x3FBB] =	sst s0  }
0x18: {  	s0 =	sld [smem:$0x3F9E];
	_ =	swait.ge [sflag:s4], $0x0  }
0x19: {  	s7 =	sld [smem:$0x3F9F]  }
0x1a: {  	s8 =	sadd.s32 $0xFFFFE003, lr  }
0x1b: {  	s9 =	sadd.s32 $0xFFFFFEF7, lr;
	s5 =	simm.s32 $0xFFFFFFFF;
	p2 =	slt.u32 s8, $0xFFFFF086  }
0x1c: {  	p1 =	slt.u32 s9, $0xF7A;
	s5 =	simm.s32 @!p2 $0x0  }
0x1d: {  	s5 =	simm.s32 @p1 $0x1;
	p0 =	seq.s32 s7, s2  }
0x1e: {  	s7 =	smul.u32 @!p0 $0xF7A, s2;
	p2 =	seq.s32 @!p0 s5, $0x0  }
0x1f: {  	s9 =	smul.u32 $0xF7A, s1;
	s8 =	simm.s32 @!p0 $0x1BF5;
	p2 =	por !p2, p0  }
0x20: {  	[sflag:s8] =	ssyncset.s32 @!p0 $0xFFFFF086;
	s6 =	sadd.s32 @!p0 s3, s7;
	s7 =	simm.s32 @!p0 $0x108  }
0x21: {  	s3 =	sadd.s32 s3, s9;
	s6 =	sadd.s32 @!p0 $0x88, s6;
	s7 =	simm.s32 @p2 $0x1082  }
0x22: {  	[simem:s7], [sflag:s8] =	dma.local @!p0 [hbm:s6], $0xF7A  }
0x23: {  	s9 =	sor.u32 $0xD0000000, s2;
	s6 =	simm.s32 $0x108;
	_ =	swait.ge @!p0 [sflag:s8], $0x0  }
0x24: {  	s3 =	sadd.s32 $0x88, s3;
	s6 =	simm.s32 @!p1 $0x1082;
	[sflag:s4] =	ssyncset.s32 $0xFFFFF086  }
0x25: {  	[simem:s6], [sflag:s4] =	dma.local [hbm:s3], $0xF7A  }
0x26: {  	[smem:$0x3F9F] =	sst s1;
	(tag) =	ssettag s2;
	_ =	strace s9  }
0x27: {  	s1 =	sld [smem:$0x3FAF]  }
0x28: {  	s2 =	sld [smem:$0x3FB0]  }
0x29: {  	s4 =	sld [smem:$0x3FB2]  }
0x2a: {  	p0 =	seq.s32 s5, $0x0;
	s5 =	sld [smem:$0x3FB3]  }
0x2b: {  	s6 =	sld [smem:$0x3FB4]  }
0x2c: {  	s7 =	sld [smem:$0x3FB5]  }
0x2d: {  	s3 =	simm.s32 $0x108;
	s8 =	sld [smem:$0x3FB6]  }
0x2e: {  	s3 =	simm.s32 @!p0 $0x1082;
	s9 =	sld [smem:$0x3FB7]  }
0x2f: {  	lr =	sadd.s32 s0, s3;
	s0 =	sld [smem:$0x3FAE]  }
0x30: {  	s3 =	sld [smem:$0x3FB1]  }
0x31: {  	[smem:$0x3FBA] =	sst s10  }
0x32: {  	s10 =	sld [smem:$0x3FB8];
	_ =	sdelay $0x3  }
0x33: {  	p0 =	seq.s32 s10, $0x1;
	s10 =	sld [smem:$0x3FBA];
	_ =	sdelay $0x3  }
0x34: {  	[smem:$0x3FBA] =	sst s10  }
0x35: {  	s10 =	sld [smem:$0x3FB9];
	_ =	sdelay $0x3  }
0x36: {  	p1 =	seq.s32 s10, $0x1;
	s10 =	sld [smem:$0x3FBA];
	_ =	sdelay $0x3  }
0x37: {  	[smem:$0x3FBA] =	sst s10  }
0x38: {  	s10 =	sld [smem:$0x3FBB]  }
0x39: {  	_ = 	snop;
	(pc) =	sbr.ind lr, $3  }
0x3a: {  	_ = 	snop  }
0x3b: {  	_ = 	snop  }
0x3c: {  	p2 =	seq.s32 s10, $0x1;
	s10 =	sld [smem:$0x3FBA]  }
0x3d: {  	_ =	shalt  }
0x3e: {  	_ =	shalt  }
0x3f: {  	_ =	shalt  }
0x40: {  	_ =	shalt  }
0x41: {  	_ =	shalt  }
0x42: {  	_ =	shalt  }
0x43: {  	_ =	shalt  }
0x44: {  	_ =	shalt  }
0x45: {  	_ =	shalt  }
0x46: {  	_ =	shalt  }
0x47: {  	_ =	shalt  }
0x48: {  	_ =	shalt  }
0x49: {  	_ =	shalt  }
0x4a: {  	_ =	shalt  }
0x4b: {  	_ =	shalt  }
0x4c: {  	_ =	shalt  }
0x4d: {  	_ =	shalt  }
0x4e: {  	_ =	shalt  }
0x4f: {  	_ =	shalt  }
0x50: {  	_ =	shalt  }
0x51: {  	_ =	shalt  }
0x52: {  	_ =	shalt  }
0x53: {  	_ =	shalt  }
0x54: {  	_ =	shalt  }
0x55: {  	_ =	shalt  }
0x56: {  	_ =	shalt  }
0x57: {  	_ =	shalt  }
0x58: {  	_ =	shalt  }
0x59: {  	_ =	shalt  }
0x5a: {  	_ =	shalt  }
0x5b: {  	_ =	shalt  }
0x5c: {  	_ =	shalt  }
0x5d: {  	_ =	shalt  }
0x5e: {  	_ =	shalt  }
0x5f: {  	_ =	shalt  }
0x60: {  	_ =	shalt  }
0x61: {  	_ =	shalt  }
0x62: {  	_ =	shalt  }
0x63: {  	_ =	shalt  }
0x64: {  	_ =	shalt  }
0x65: {  	_ =	shalt  }
0x66: {  	_ =	shalt  }
0x67: {  	_ =	shalt  }
0x68: {  	_ =	shalt  }
0x69: {  	_ =	shalt  }
0x6a: {  	_ =	shalt  }
0x6b: {  	_ =	shalt  }
0x6c: {  	_ =	shalt  }
0x6d: {  	_ =	shalt  }
0x6e: {  	_ =	shalt  }
0x6f: {  	_ =	shalt  }
0x70: {  	_ =	shalt  }
0x71: {  	_ =	shalt  }
0x72: {  	_ =	shalt  }
0x73: {  	_ =	shalt  }
0x74: {  	_ =	shalt  }
0x75: {  	_ =	shalt  }
0x76: {  	_ =	shalt  }
0x77: {  	_ =	shalt  }
0x78: {  	_ =	shalt  }
0x79: {  	_ =	shalt  }
0x7a: {  	_ =	shalt  }
0x7b: {  	_ =	shalt  }
0x7c: {  	_ =	shalt  }
0x7d: {  	_ =	shalt  }
0x7e: {  	_ =	shalt  }
0x7f: {  	_ =	shalt  }
0x80: {  	_ =	shalt  }
0x81: {  	_ =	shalt  }
0x82: {  	_ =	shalt  }
0x83: {  	_ =	shalt  }
0x84: {  	_ =	shalt  }
0x85: {  	_ =	shalt  }
0x86: {  	_ =	shalt  }
0x87: {  	_ =	shalt  }
.Lfunc_end0:
.L_simem_size_0:
called_computation_lowered:
.L_overlay_start_0:
0x88: {  	s2 =	sld [smem:$0x3FD9]  }
0x89: {  	s3 =	sld [smem:$0x3FFE];
	_ =	sdelay $0x1  }
0x8a: {  	s1 =	srdreg.scid  }
0x8b: {  	s0 =	sand.u32 $0x1, s1  }
0x8c: {  	s16 =	sshll.u32 s0, $0xA;
	s2 =	sadd.s32 s3, s2  }
0x8d: {  	s2 =	sadd.s32 s2, s16  }
0x8e: {  	[smem:$0x3FC6] =	sst s2  }
0x8f: {  	_ = 	snop  }
0x90: {  	(tm) =	ssettm $0x1  }
0x91: {  	s17 =	sld [smem:$0x3FFB];
	_ =	sdelay $0x3  }
0x92: {  	_ =	strace s17  }
0x93: {  	s2 =	sld [smem:$0x3FFC];
	_ =	sdelay $0x3  }
0x94: {  	_ =	strace s2  }
0x95: {  	s2 =	sld [smem:$0x3FFD];
	_ =	sdelay $0x3  }
0x96: {  	_ =	strace s2  }
0x97: {  	_ =	strace $0x8FFFFFFF  }
0x98: {  	s18 =	sld [smem:$0x3FDB];
	_ =	sdelay $0x1  }
0x99: {  	s19 =	simm.s32 $_scs_section_size  }
0x9a: {  	s4 =	simm.s32 $_size__tile_overlayer_lowered;
	s5 =	simm.s32 $_tile_overlayer_lowered  }
0x9b: {  	s22 =	simm.s32 $0x1BFF;
	s21 =	sshll.u32 s5, $0x1;
	s2 =	sadd.s32 s19, s18  }
0x9c: {  	s6 =	simm.s32 $0x0;
	s20 =	sshll.u32 s4, $0x1;
	s4 =	sadd.s32 s21, s2  }
0x9d: {  	[timem:s6], [sflag:s22] =	dma.local [hbm:s4], s20  }
0x9e: {  	_ =	swait.ge [sflag:s22], s20  }
0x9f: {  	s3 =	ssub.s32 $0x0, s20;
	[sflag:s22] =	ssyncset.done $0x0  }
0xa0: {  	[sflag:s22] =	ssyncadd.s32 s3;
	_ =	sdelay $0x1  }
0xa1: {  	s23 =	simm.s32 $0x1B8B  }
0xa2: {  	_ =	swait.ge [sflag:s23], $0x1  }
0xa3: {  	[sflag:s23] =	ssyncset.done $0x0  }
0xa4: {  	s25 =	simm.s32 $0x1B8E;
	s24 =	sld [smem:$0x3FFE];
	[sflag:s23] =	ssyncadd.s32 $0xFFFFFFFF  }
0xa5: {  	s26 =	simm.s32 $execute0_lowered;
	[smem:$0x3FD2] =	sst s25  }
0xa6: {  	s4 =	sshll.u32 s26, $0x1;
	_ =	strace $0x80000046;
	[dreg:$0x1] =	wrdreg $0xFFFFFFFF  }
0xa7: {  	s28 =	simm.s32 $_size_execute0_lowered;
	s2 =	sadd.s32 s2, s4;
	[dreg:$0x0] =	wrdreg $0x0  }
0xa8: {  	s4 =	sshll.u32 s28, $0x1;
	[dreg:$0x2] =	wrdreg s2  }
0xa9: {  	[dreg:$0x3] =	wrdreg s4  }
0xaa: {  	[dreg:$0x4] =	wrdreg $0xC0  }
0xab: {  	_ =	task [dreg:s6], $0x5FFFF  }
0xac: {  	[dreg:$0x1] =	wrdreg $0xFFFFFFFF  }
0xad: {  	[dreg:$0x0] =	wrdreg $0x60  }
0xae: {  	[dreg:$0x2] =	wrdreg s24  }
0xaf: {  	[dreg:$0x3] =	wrdreg $0x9  }
0xb0: {  	_ =	task.clear_ibuf [dreg:s6], $0x4FFFF;
	_ =	strace $0x90000046  }
0xb1: {  	s29 =	simm.s32 $0x9;
	_ =	strace $0x80000048  }
0xb2: {  	_ =	swait.ge [sflag:s29], $0x1  }
0xb3: {  	[sflag:s29] =	ssyncadd.s32 $0xFFFFFFFF  }
0xb4: {  	_ =	strace $0x90000048  }
0xb5: {  	_ =	sfence  }
0xb6: {  	s30 =	sld [smem:$0x0];
	_ =	sdelay $0x2  }
0xb7: {  	s31 =	sshll.u32 s1, $0xD;
	s1 =	sshrl.u32 s1, $0x2  }
0xb8: {  	s3 =	sand.u32 $0x4000, s31;
	s1 =	sadd.s32 s1, s30  }
0xb9: {  	s0 =	sor.u32 s3, s0;
	s1 =	sshll.u32 s1, $0x11  }
0xba: {  	s0 =	sor.u32 s1, s0  }
0xbb: {  	s0 =	sadd.s32 $0x8F2B, s0  }
0xbc: {  	[sflag:s0] =	ssyncadd.remote.s32 $0x1  }
0xbd: {  	_ =	sfence.sel $0xFFFF  }
0xbe: {  	[dreg:$0x0] =	wrdreg $0xFFFFFFFF;
	(pc) =	sbr.abs _section_cstart, $3  }
0xbf: {  	[dreg:$0x1] =	wrdreg $0xFFFFFFFF  }
0xc0: {  	_ =	task.clear_ibuf [dreg:s6], $0x2FFFF;
	_ =	strace $0x9FFFFFFF  }
0xc1: {  	(tm) =	ssettm $0x7FFFFFFF  }
tec
execute0_lowered:
.L_overlay_start_1:
0x0: {  	(tag) =	ssettag $0x1  }
0x1: {  	s1 =	srdreg.scid;
	s0 =	stileid.u32  }
0x2: {  	s5 =	rddreg [dreg:$0x0];
	s2 =	simm.s32 $0x0;
	s8 =	simm.s32 $0x190  }
0x3: {  	s9 =	simm.s32 $0x7D00;
	s10 =	simm.s32 $0xE100;
	s11 =	simm.s32 $0x1  }
0x4: {  	s12 =	simm.s32 $0x2;
	s4 =	sand.u32 $0x1, s1;
	s30 =	sshll.u32 s0, $0x1  }
0x5: {  	s13 =	simm.s32 $0x14500;
	s1 =	rddreg [dreg:$0x1];
	s3 =	sor.u32 s4, s30  }
0x6: {  	s14 =	simm.s32 $0x0;
	[smem:$0x7FF] =	sst s2;
	s6 =	smul.u32 $0xFA0, s3  }
0x7: {  	_ =	strace $0x80000047;
	s4 =	ssub.s32 $0x2, s4;
	s7 =	smul.u32 $0x1400, s3  }
0x8: {  	s3 =	sadd.s32 $0xF42C00, s5;
	s31 =	sshrl.u32 s4, $0x1;
	s6 =	sadd.s32 s6, s5  }
0x9: {  	s5 =	sadd.s32 s7, s5;
	s7 =	ssub.s32 s4, s31;
	s4 =	sadd.s32 $0x800, s6  }
0xa: {  	s5 =	sadd.s32 $0x1FC00, s5;
	s6 =	smax.u32 s7, $0x1;
	s7 =	simm.s32 $0x3  }
.LBB2_1:
0xb: {  	[tilespmem:s2], [sflag:$0x3] =	stream.linear.gather [hbm4b:s4+s2], $0x7D00, $0x38;
	[tilespmem:$0x1E500] =	vst v63  }
0xc: {  	_ =	swait.ge [sflag:s7], $0x7D00  }
0xd: {  	[sflag:s7] =	ssyncset.done $0x0  }
0xe: {  	s15 =	simm.s32 $0x0;
	[sflag:s7] =	ssyncadd.s32 $0xFFFF8300  }
0xf: {  	[tilespmem:s9], [sflag:$0x1] =	stream.indirect.gather [hbm4b:s3+s8], $0x40, s2, s8, $0xb8;
	[tilespmem:$0x1E500] =	vst v63  }
.LBB2_2:
0x10: {  	s16 =	sshllo.u32 s15, $0x1  }
0x11: {  	s17 =	smul.u32 $0x640, s16;
	_ =	sdelay $0x1  }
0x12: {  	s31 =	sshll.u32 s15, $0xA;
	s17 =	sshra.s32 s17, $0x2  }
0x13: {  	[tilespmem:s10], [sflag:$0x2] =	stream.indirect.gather [hbm4b:s3+s8], $0x40, s17, s8, $0xb8;
	[tilespmem:$0x1E500] =	vst v63  }
0x14: {  	s17 =	sand.u32 $0x3FFFFC00, s31;
	_ =	swait.ge [sflag:s11], $0x6400  }
0x15: {  	s19 =	sadd.s32 $0x14500, s17;
	[sflag:s11] =	ssyncset.done $0x0  }
0x16: {  	s18 =	simm.s32 $0x8020;
	s17 =	simm.s32 $0x0;
	v0 =	vmov s19;
	[sflag:s11] =	ssyncadd.s32 $0xFFFF9C00  }
.LBB2_3:
0x17: {  	v1 =	vld [tilespmem:s18+$0x2E0]  }
0x18: {  	v2 =	vld [tilespmem:s18+$0x2F0]  }
0x19: {  	v3 =	vld [tilespmem:s18+$0x2A0]  }
0x1a: {  	v4 =	vld [tilespmem:s18+$0x2B0]  }
0x1b: {  	v5 =	vld [tilespmem:s18+$0x260]  }
0x1c: {  	v6 =	vld [tilespmem:s18+$0x270]  }
0x1d: {  	v7 =	vld [tilespmem:s18+$0x220]  }
0x1e: {  	v8 =	vld [tilespmem:s18+$0x230]  }
0x1f: {  	v9 =	vld [tilespmem:s18+$0x1E0]  }
0x20: {  	v10 =	vld [tilespmem:s18+$0x1F0]  }
0x21: {  	v11 =	vld [tilespmem:s18+$0x1A0]  }
0x22: {  	v12 =	vld [tilespmem:s18+$0x1B0]  }
0x23: {  	v13 =	vld [tilespmem:s18+$0x160]  }
0x24: {  	v14 =	vld [tilespmem:s18+$0x170]  }
0x25: {  	v15 =	vld [tilespmem:s18+$0x120]  }
0x26: {  	v16 =	vld [tilespmem:s18+$0x130]  }
0x27: {  	v17 =	vld [tilespmem:s18+$0xE0]  }
0x28: {  	v18 =	vld [tilespmem:s18+$0xF0]  }
0x29: {  	v19 =	vld [tilespmem:s18+$0xA0]  }
0x2a: {  	v20 =	vld [tilespmem:s18+$0xB0]  }
0x2b: {  	v21 =	vld [tilespmem:s18+$0x60]  }
0x2c: {  	v22 =	vld [tilespmem:s18+$0x70]  }
0x2d: {  	v23 =	vld [tilespmem:s18+$0x20]  }
0x2e: {  	v24 =	vld [tilespmem:s18+$0x30]  }
0x2f: {  	v25 =	vld [tilespmem:s18+$0xFFFFFFE0]  }
0x30: {  	v26 =	vld [tilespmem:s18+$0xFFFFFFF0]  }
0x31: {  	v27 =	vld [tilespmem:s18+$0xFFFFFFA0]  }
0x32: {  	v28 =	vld [tilespmem:s18+$0xFFFFFFB0]  }
0x33: {  	v29 =	vld [tilespmem:s18+$0xFFFFFF60]  }
0x34: {  	v30 =	vld [tilespmem:s18+$0xFFFFFF70]  }
0x35: {  	v31 =	vld [tilespmem:s18+$0xFFFFFF20]  }
0x36: {  	v32 =	vld [tilespmem:s18+$0xFFFFFF30]  }
0x37: {  	v33 =	vld [tilespmem:s18+$0xFFFFFEE0]  }
0x38: {  	v34 =	vld [tilespmem:s18+$0xFFFFFEF0]  }
0x39: {  	v35 =	vld [tilespmem:s18+$0xFFFFFEA0]  }
0x3a: {  	v36 =	vld [tilespmem:s18+$0xFFFFFEB0]  }
0x3b: {  	v37 =	vld [tilespmem:s18+$0xFFFFFE60]  }
0x3c: {  	v38 =	vld [tilespmem:s18+$0xFFFFFE70]  }
0x3d: {  	v39 =	vld [tilespmem:s18+$0xFFFFFE20]  }
0x3e: {  	v40 =	vld [tilespmem:s18+$0xFFFFFE30]  }
0x3f: {  	v41 =	vld [tilespmem:s18+$0xFFFFFDE0]  }
0x40: {  	v42 =	vld [tilespmem:s18+$0xFFFFFDF0]  }
0x41: {  	v43 =	vld [tilespmem:s18+$0xFFFFFDA0]  }
0x42: {  	v44 =	vld [tilespmem:s18+$0xFFFFFDB0]  }
0x43: {  	v45 =	vld [tilespmem:s18+$0xFFFFFD60]  }
0x44: {  	v46 =	vld [tilespmem:s18+$0xFFFFFD70]  }
0x45: {  	v47 =	vld [tilespmem:s18+$0xFFFFFD20]  }
0x46: {  	v48 =	vld [tilespmem:s18+$0xFFFFFD30]  }
0x47: {  	v49 =	vld [tilespmem:s18+$0xFFFFFCE0]  }
0x48: {  	v50 =	vld [tilespmem:s18+$0xFFFFFCF0]  }
0x49: {  	v51 =	vld [tilespmem:s18+$0xFFFFFD00]  }
0x4a: {  	v52 =	vld [tilespmem:s18+$0xFFFFFD10]  }
0x4b: {  	v53 =	vld [tilespmem:s18+$0xFFFFFD40]  }
0x4c: {  	v54 =	vld [tilespmem:s18+$0xFFFFFD50]  }
0x4d: {  	v55 =	vimm.f32 $0.0e+00;
	v56 =	vld [tilespmem:s18+$0xFFFFFD80]  }
0x4e: {  	v57 =	vld [tilespmem:s18+$0xFFFFFD90];
	v49 =	vadd.f32 v49, v55;
	v50 =	vadd.f32 v50, v55  }
0x4f: {  	v61 =	vld [tilespmem:s18+$0xFFFFFDC0];
	v51 =	vadd.f32 v51, v55;
	v52 =	vadd.f32 v52, v55  }
0x50: {  	v47 =	vadd.f32 v47, v49;
	v48 =	vadd.f32 v48, v50;
	v49 =	vld [tilespmem:s18+$0xFFFFFDD0]  }
0x51: {  	v62 =	vadd.f32 v53, v51;
	v63 =	vadd.f32 v54, v52;
	v52 =	vld [tilespmem:s18+$0xFFFFFE00]  }
0x52: {  	v54 =	vld [tilespmem:s18+$0xFFFFFE10];
	v45 =	vadd.f32 v45, v47;
	v46 =	vadd.f32 v46, v48  }
0x53: {  	v59 =	vld [tilespmem:s18+$0xFFFFFE40];
	v56 =	vadd.f32 v56, v62;
	v58 =	vadd.f32 v57, v63  }
0x54: {  	v60 =	vld [tilespmem:s18+$0xFFFFFE50];
	v43 =	vadd.f32 v43, v45;
	v44 =	vadd.f32 v44, v46  }
0x55: {  	v50 =	vld [tilespmem:s18+$0xFFFFFE90];
	v61 =	vadd.f32 v61, v56;
	v62 =	vadd.f32 v49, v58  }
0x56: {  	v63 =	vld [tilespmem:s18+$0xFFFFFE80];
	v41 =	vadd.f32 v41, v43;
	v42 =	vadd.f32 v42, v44  }
0x57: {  	v55 =	vld [tilespmem:s18+$0xFFFFFED0];
	v52 =	vadd.f32 v52, v61;
	v53 =	vadd.f32 v54, v62  }
0x58: {  	v54 =	vld [tilespmem:s18+$0xFFFFFEC0];
	v39 =	vadd.f32 v39, v41;
	v40 =	vadd.f32 v40, v42  }
0x59: {  	v58 =	vld [tilespmem:s18+$0xFFFFFF00];
	v56 =	vadd.f32 v59, v52;
	v57 =	vadd.f32 v60, v53  }
0x5a: {  	v59 =	vld [tilespmem:s18+$0xFFFFFF10];
	v37 =	vadd.f32 v37, v39;
	v38 =	vadd.f32 v38, v40  }
0x5b: {  	v62 =	vld [tilespmem:s18+$0xFFFFFF40];
	v60 =	vadd.f32 v63, v56;
	v61 =	vadd.f32 v50, v57  }
0x5c: {  	v63 =	vld [tilespmem:s18+$0xFFFFFF50];
	v35 =	vadd.f32 v35, v37;
	v36 =	vadd.f32 v36, v38  }
0x5d: {  	v47 =	vld [tilespmem:s18+$0xFFFFFF80];
	v44 =	vadd.f32 v54, v60;
	v46 =	vadd.f32 v55, v61  }
0x5e: {  	v48 =	vld [tilespmem:s18+$0xFFFFFF90];
	v33 =	vadd.f32 v33, v35;
	v34 =	vadd.f32 v34, v36  }
0x5f: {  	v51 =	vld [tilespmem:s18+$0xFFFFFFC0];
	v49 =	vadd.f32 v58, v44;
	v50 =	vadd.f32 v59, v46  }
0x60: {  	v52 =	vld [tilespmem:s18+$0xFFFFFFD0];
	v31 =	vadd.f32 v31, v33;
	v32 =	vadd.f32 v32, v34  }
0x61: {  	v56 =	vld [tilespmem:s18+$0x10];
	v53 =	vadd.f32 v62, v49;
	v54 =	vadd.f32 v63, v50  }
0x62: {  	v55 =	vld [tilespmem:s18+$0x0];
	v29 =	vadd.f32 v29, v31;
	v30 =	vadd.f32 v30, v32  }
0x63: {  	v60 =	vld [tilespmem:s18+$0x50];
	v57 =	vadd.f32 v47, v53;
	v58 =	vadd.f32 v48, v54  }
0x64: {  	v59 =	vld [tilespmem:s18+$0x40];
	v27 =	vadd.f32 v27, v29;
	v28 =	vadd.f32 v28, v30  }
0x65: {  	v34 =	vld [tilespmem:s18+$0x90];
	v61 =	vadd.f32 v51, v57;
	v62 =	vadd.f32 v52, v58  }
0x66: {  	v63 =	vld [tilespmem:s18+$0x80];
	v25 =	vadd.f32 v25, v27;
	v26 =	vadd.f32 v26, v28  }
0x67: {  	v39 =	vld [tilespmem:s18+$0xD0];
	v36 =	vadd.f32 v55, v61;
	v37 =	vadd.f32 v56, v62  }
0x68: {  	v38 =	vld [tilespmem:s18+$0xC0];
	v23 =	vadd.f32 v23, v25;
	v24 =	vadd.f32 v24, v26  }
0x69: {  	v43 =	vld [tilespmem:s18+$0x110];
	v40 =	vadd.f32 v59, v36;
	v41 =	vadd.f32 v60, v37  }
0x6a: {  	v42 =	vld [tilespmem:s18+$0x100];
	v21 =	vadd.f32 v21, v23;
	v22 =	vadd.f32 v22, v24  }
0x6b: {  	v46 =	vld [tilespmem:s18+$0x140];
	v44 =	vadd.f32 v63, v40;
	v45 =	vadd.f32 v34, v41  }
0x6c: {  	v47 =	vld [tilespmem:s18+$0x150];
	v19 =	vadd.f32 v19, v21;
	v20 =	vadd.f32 v20, v22  }
0x6d: {  	v50 =	vld [tilespmem:s18+$0x180];
	v48 =	vadd.f32 v38, v44;
	v49 =	vadd.f32 v39, v45  }
0x6e: {  	v51 =	vld [tilespmem:s18+$0x190];
	v17 =	vadd.f32 v17, v19;
	v18 =	vadd.f32 v18, v20  }
0x6f: {  	v54 =	vld [tilespmem:s18+$0x1C0];
	v52 =	vadd.f32 v42, v48;
	v53 =	vadd.f32 v43, v49  }
0x70: {  	v55 =	vld [tilespmem:s18+$0x1D0];
	v15 =	vadd.f32 v15, v17;
	v16 =	vadd.f32 v16, v18  }
0x71: {  	v58 =	vld [tilespmem:s18+$0x200];
	v56 =	vadd.f32 v46, v52;
	v57 =	vadd.f32 v47, v53  }
0x72: {  	v13 =	vadd.f32 v13, v15;
	v14 =	vadd.f32 v14, v16;
	v15 =	vld [tilespmem:s18+$0x210]  }
0x73: {  	v61 =	vld [tilespmem:s18+$0x240];
	v59 =	vadd.f32 v50, v56;
	v60 =	vadd.f32 v51, v57  }
0x74: {  	v13 =	vadd.f32 v11, v13;
	v12 =	vadd.f32 v12, v14;
	v14 =	vld [tilespmem:s18+$0x250]  }
0x75: {  	p0 =	por $0x1, $0x1;
	v16 =	vadd.f32 v54, v59;
	v11 =	vld [tilespmem:s18+$0x280];
	v17 =	vadd.f32 v55, v60  }
.Ltmp0:
0x76: {  	v13 =	vadd.f32 v9, v13;
	v12 =	vadd.f32 v10, v12;
	v10 =	vld [tilespmem:s18+$0x290];
	(pc) =	sbr.rel @!p0 .LBB2_5-.Ltmp0, $4  }
0x77: {  	v16 =	vadd.f32 v58, v16;
	v9 =	vld [tilespmem:s18+$0x2C0];
	v15 =	vadd.f32 v15, v17  }
0x78: {  	v62 =	vadd.f32 v7, v13;
	v63 =	vadd.f32 v8, v12;
	v8 =	vld [tilespmem:s18+$0x2D0]  }
0x79: {  	v13 =	vadd.f32 v61, v16;
	v7 =	vld [tilespmem:s18+$0x300];
	v12 =	vadd.f32 v14, v15  }
0x7a: {  	s21 =	simm.s32 $0x0;
	s19 =	sadd.s32 $0x640, s18;
	v14 =	vadd.f32 v5, v62;
	v5 =	vadd.f32 v6, v63;
	v6 =	vld [tilespmem:s18+$0x310]  }
.LBB2_4:
0x7b: {  	v15 =	vld [tilespmem:s19+$0x2E0];
	v11 =	vadd.f32 v11, v13;
	v10 =	vadd.f32 v10, v12;
	s20 =	smov.u32 s21  }
0x7c: {  	v12 =	vld [tilespmem:s19+$0x2F0];
	v13 =	vadd.f32 v3, v14;
	v5 =	vadd.f32 v4, v5  }
0x7d: {  	v3 =	vld [tilespmem:s19+$0x2A0];
	v9 =	vadd.f32 v9, v11;
	v8 =	vadd.f32 v8, v10  }
0x7e: {  	v4 =	vld [tilespmem:s19+$0x2B0];
	v31 =	vadd.f32 v1, v13;
	v32 =	vadd.f32 v2, v5  }
0x7f: {  	v5 =	vld [tilespmem:s19+$0x260];
	v33 =	vadd.f32 v7, v9;
	v34 =	vadd.f32 v6, v8  }
0x80: {  	v6 =	vld [tilespmem:s19+$0x270];
	v1 =	vmov v15  }
0x81: {  	v7 =	vld [tilespmem:s19+$0x220];
	v2 =	vmov v12  }
0x82: {  	v8 =	vld [tilespmem:s19+$0x230]  }
0x83: {  	v9 =	vld [tilespmem:s19+$0x1E0]  }
0x84: {  	v10 =	vld [tilespmem:s19+$0x1F0]  }
0x85: {  	v11 =	vld [tilespmem:s19+$0x1A0]  }
0x86: {  	v12 =	vld [tilespmem:s19+$0x1B0]  }
0x87: {  	v13 =	vld [tilespmem:s19+$0x160]  }
0x88: {  	v14 =	vld [tilespmem:s19+$0x170]  }
0x89: {  	v15 =	vld [tilespmem:s19+$0x120]  }
0x8a: {  	v16 =	vld [tilespmem:s19+$0x130]  }
0x8b: {  	v17 =	vld [tilespmem:s19+$0xE0]  }
0x8c: {  	v18 =	vld [tilespmem:s19+$0xF0]  }
0x8d: {  	v19 =	vld [tilespmem:s19+$0xA0]  }
0x8e: {  	v20 =	vld [tilespmem:s19+$0xB0]  }
0x8f: {  	v21 =	vld [tilespmem:s19+$0x60]  }
0x90: {  	v22 =	vld [tilespmem:s19+$0x70]  }
0x91: {  	v23 =	vld [tilespmem:s19+$0x20]  }
0x92: {  	v24 =	vld [tilespmem:s19+$0x30]  }
0x93: {  	v25 =	vld [tilespmem:s19+$0xFFFFFFE0]  }
0x94: {  	v26 =	vld [tilespmem:s19+$0xFFFFFFF0]  }
0x95: {  	v27 =	vld [tilespmem:s19+$0xFFFFFFA0]  }
0x96: {  	v28 =	vld [tilespmem:s19+$0xFFFFFFB0]  }
0x97: {  	v29 =	vld [tilespmem:s19+$0xFFFFFF60]  }
0x98: {  	v30 =	vld [tilespmem:s19+$0xFFFFFF70]  }
0x99: {  	v35 =	vld [tilespmem:s19+$0xFFFFFF20]  }
0x9a: {  	v36 =	vld [tilespmem:s19+$0xFFFFFF30]  }
0x9b: {  	v37 =	vld [tilespmem:s19+$0xFFFFFEE0]  }
0x9c: {  	v38 =	vld [tilespmem:s19+$0xFFFFFEF0]  }
0x9d: {  	v39 =	vld [tilespmem:s19+$0xFFFFFEA0]  }
0x9e: {  	v40 =	vld [tilespmem:s19+$0xFFFFFEB0]  }
0x9f: {  	v41 =	vld [tilespmem:s19+$0xFFFFFE60]  }
0xa0: {  	v42 =	vld [tilespmem:s19+$0xFFFFFE70]  }
0xa1: {  	v43 =	vld [tilespmem:s19+$0xFFFFFE20]  }
0xa2: {  	v44 =	vld [tilespmem:s19+$0xFFFFFE30]  }
0xa3: {  	v45 =	vld [tilespmem:s19+$0xFFFFFDE0]  }
0xa4: {  	v46 =	vld [tilespmem:s19+$0xFFFFFDF0]  }
0xa5: {  	v47 =	vld [tilespmem:s19+$0xFFFFFDA0]  }
0xa6: {  	v48 =	vld [tilespmem:s19+$0xFFFFFDB0]  }
0xa7: {  	v49 =	vld [tilespmem:s19+$0xFFFFFD60]  }
0xa8: {  	v50 =	vld [tilespmem:s19+$0xFFFFFD70]  }
0xa9: {  	v51 =	vld [tilespmem:s19+$0xFFFFFD20]  }
0xaa: {  	v52 =	vld [tilespmem:s19+$0xFFFFFD30]  }
0xab: {  	v53 =	vld [tilespmem:s19+$0xFFFFFCE0]  }
0xac: {  	v54 =	vld [tilespmem:s19+$0xFFFFFCF0]  }
0xad: {  	v55 =	vld [tilespmem:s19+$0xFFFFFD00]  }
0xae: {  	s20 =	sadd.s32 $0x19, s21;
	v56 =	vld [tilespmem:s19+$0xFFFFFD10]  }
0xaf: {  	p0 =	slt.u32 s20, s21;
	v57 =	vld [tilespmem:s19+$0xFFFFFD40]  }
0xb0: {  	v58 =	vld [tilespmem:s19+$0xFFFFFD50]  }
0xb1: {  	v59 =	vld [tilespmem:s19+$0xFFFFFD80]  }
0xb2: {  	v31 =	vadd.f32 v53, v31;
	v32 =	vadd.f32 v54, v32;
	v53 =	vld [tilespmem:s19+$0xFFFFFD90]  }
0xb3: {  	v33 =	vadd.f32 v55, v33;
	v34 =	vadd.f32 v56, v34;
	v54 =	vld [tilespmem:s19+$0xFFFFFDC0]  }
0xb4: {  	v31 =	vadd.f32 v51, v31;
	v32 =	vadd.f32 v52, v32;
	v51 =	vld [tilespmem:s19+$0xFFFFFDD0]  }
0xb5: {  	v33 =	vadd.f32 v57, v33;
	v34 =	vadd.f32 v58, v34;
	v52 =	vld [tilespmem:s19+$0xFFFFFE00]  }
0xb6: {  	v31 =	vadd.f32 v49, v31;
	v32 =	vadd.f32 v50, v32;
	v49 =	vld [tilespmem:s19+$0xFFFFFE10]  }
0xb7: {  	v33 =	vadd.f32 v59, v33;
	v34 =	vadd.f32 v53, v34;
	v50 =	vld [tilespmem:s19+$0xFFFFFE40]  }
0xb8: {  	v31 =	vadd.f32 v47, v31;
	v32 =	vadd.f32 v48, v32;
	v47 =	vld [tilespmem:s19+$0xFFFFFE50]  }
0xb9: {  	v33 =	vadd.f32 v54, v33;
	v34 =	vadd.f32 v51, v34;
	v48 =	vld [tilespmem:s19+$0xFFFFFE80]  }
0xba: {  	v31 =	vadd.f32 v45, v31;
	v32 =	vadd.f32 v46, v32;
	v45 =	vld [tilespmem:s19+$0xFFFFFE90]  }
0xbb: {  	v33 =	vadd.f32 v52, v33;
	v34 =	vadd.f32 v49, v34;
	v46 =	vld [tilespmem:s19+$0xFFFFFEC0]  }
0xbc: {  	v31 =	vadd.f32 v43, v31;
	v32 =	vadd.f32 v44, v32;
	v43 =	vld [tilespmem:s19+$0xFFFFFED0]  }
0xbd: {  	v33 =	vadd.f32 v50, v33;
	v34 =	vadd.f32 v47, v34;
	v44 =	vld [tilespmem:s19+$0xFFFFFF00]  }
0xbe: {  	v31 =	vadd.f32 v41, v31;
	v32 =	vadd.f32 v42, v32;
	v41 =	vld [tilespmem:s19+$0xFFFFFF10]  }
0xbf: {  	v33 =	vadd.f32 v48, v33;
	v34 =	vadd.f32 v45, v34;
	v42 =	vld [tilespmem:s19+$0xFFFFFF40]  }
0xc0: {  	v31 =	vadd.f32 v39, v31;
	v32 =	vadd.f32 v40, v32;
	v39 =	vld [tilespmem:s19+$0xFFFFFF50]  }
0xc1: {  	v33 =	vadd.f32 v46, v33;
	v34 =	vadd.f32 v43, v34;
	v40 =	vld [tilespmem:s19+$0xFFFFFF80]  }
0xc2: {  	v31 =	vadd.f32 v37, v31;
	v32 =	vadd.f32 v38, v32;
	v37 =	vld [tilespmem:s19+$0xFFFFFF90]  }
0xc3: {  	v33 =	vadd.f32 v44, v33;
	v34 =	vadd.f32 v41, v34;
	v38 =	vld [tilespmem:s19+$0xFFFFFFC0]  }
0xc4: {  	v31 =	vadd.f32 v35, v31;
	v32 =	vadd.f32 v36, v32;
	v35 =	vld [tilespmem:s19+$0xFFFFFFD0]  }
0xc5: {  	v33 =	vadd.f32 v42, v33;
	v34 =	vadd.f32 v39, v34;
	v36 =	vld [tilespmem:s19+$0x0]  }
0xc6: {  	v29 =	vadd.f32 v29, v31;
	v30 =	vadd.f32 v30, v32;
	v31 =	vld [tilespmem:s19+$0x10]  }
0xc7: {  	v32 =	vadd.f32 v40, v33;
	v33 =	vadd.f32 v37, v34;
	v34 =	vld [tilespmem:s19+$0x40]  }
0xc8: {  	v27 =	vadd.f32 v27, v29;
	v28 =	vadd.f32 v28, v30;
	v29 =	vld [tilespmem:s19+$0x50]  }
0xc9: {  	v30 =	vadd.f32 v38, v32;
	v32 =	vadd.f32 v35, v33;
	v33 =	vld [tilespmem:s19+$0x80]  }
0xca: {  	v25 =	vadd.f32 v25, v27;
	v26 =	vadd.f32 v26, v28;
	v27 =	vld [tilespmem:s19+$0x90]  }
0xcb: {  	v28 =	vadd.f32 v36, v30;
	v30 =	vadd.f32 v31, v32;
	v31 =	vld [tilespmem:s19+$0xC0]  }
0xcc: {  	v23 =	vadd.f32 v23, v25;
	v24 =	vadd.f32 v24, v26;
	v25 =	vld [tilespmem:s19+$0xD0]  }
0xcd: {  	v26 =	vadd.f32 v34, v28;
	v28 =	vadd.f32 v29, v30;
	v29 =	vld [tilespmem:s19+$0x100]  }
0xce: {  	v21 =	vadd.f32 v21, v23;
	v22 =	vadd.f32 v22, v24;
	v23 =	vld [tilespmem:s19+$0x110]  }
0xcf: {  	v24 =	vadd.f32 v33, v26;
	v26 =	vadd.f32 v27, v28;
	v27 =	vld [tilespmem:s19+$0x140]  }
0xd0: {  	v19 =	vadd.f32 v19, v21;
	v20 =	vadd.f32 v20, v22;
	v21 =	vld [tilespmem:s19+$0x150]  }
0xd1: {  	v22 =	vadd.f32 v31, v24;
	v24 =	vadd.f32 v25, v26;
	v25 =	vld [tilespmem:s19+$0x180]  }
0xd2: {  	v17 =	vadd.f32 v17, v19;
	v18 =	vadd.f32 v18, v20;
	v19 =	vld [tilespmem:s19+$0x190]  }
0xd3: {  	v20 =	vadd.f32 v29, v22;
	v22 =	vadd.f32 v23, v24;
	v23 =	vld [tilespmem:s19+$0x1C0]  }
0xd4: {  	v15 =	vadd.f32 v15, v17;
	v16 =	vadd.f32 v16, v18;
	v17 =	vld [tilespmem:s19+$0x1D0]  }
0xd5: {  	v18 =	vadd.f32 v27, v20;
	v20 =	vadd.f32 v21, v22;
	v21 =	vld [tilespmem:s19+$0x200]  }
0xd6: {  	v13 =	vadd.f32 v13, v15;
	v14 =	vadd.f32 v14, v16;
	v15 =	vld [tilespmem:s19+$0x210]  }
0xd7: {  	v16 =	vadd.f32 v25, v18;
	v18 =	vadd.f32 v19, v20;
	v19 =	vld [tilespmem:s19+$0x240]  }
0xd8: {  	v13 =	vadd.f32 v11, v13;
	v12 =	vadd.f32 v12, v14;
	v14 =	vld [tilespmem:s19+$0x250]  }
0xd9: {  	v16 =	vadd.f32 v23, v16;
	v17 =	vadd.f32 v17, v18;
	v11 =	vld [tilespmem:s19+$0x280]  }
.Ltmp1:
0xda: {  	v13 =	vadd.f32 v9, v13;
	v12 =	vadd.f32 v10, v12;
	v10 =	vld [tilespmem:s19+$0x290];
	(pc) =	sbr.rel @p0 .LBB2_4-.Ltmp1, $4  }
0xdb: {  	v16 =	vadd.f32 v21, v16;
	v15 =	vadd.f32 v15, v17;
	v9 =	vld [tilespmem:s19+$0x2C0]  }
0xdc: {  	v17 =	vadd.f32 v7, v13;
	v18 =	vadd.f32 v8, v12;
	v8 =	vld [tilespmem:s19+$0x2D0]  }
0xdd: {  	v13 =	vadd.f32 v19, v16;
	v12 =	vadd.f32 v14, v15;
	v7 =	vld [tilespmem:s19+$0x300]  }
0xde: {  	s21 =	smov.u32 s20;
	v14 =	vadd.f32 v5, v17;
	v5 =	vadd.f32 v6, v18;
	v6 =	vld [tilespmem:s19+$0x310];
	s19 =	sadd.s32 $0x640, s19  }
.LBB2_5:
0xdf: {  	_ = 	snop  }
0xe0: {  	v11 =	vadd.f32 v11, v13;
	v3 =	vadd.f32 v3, v14  }
0xe1: {  	v10 =	vadd.f32 v10, v12;
	s19 =	sshll.u32 s17, $0x6;
	s17 =	sadd.s32 $0x1, s17;
	v4 =	vadd.f32 v4, v5  }
0xe2: {  	p0 =	sne.s32 s17, $0x8;
	v62 =	vadd.f32 v9, v11;
	v1 =	vadd.f32 v1, v3  }
.Ltmp2:
0xe3: {  	s19 =	sand.u32 $0x3FFFFFC0, s19;
	v3 =	vadd.f32 v8, v10;
	v2 =	vadd.f32 v2, v4;
	(pc) =	sbr.rel @p0 .LBB2_3-.Ltmp2, $4  }
0xe4: {  	v63 =	vadd.f32 v7, v62;
	[tilespmem:v0+s19+$0x0 ss:$0x1] =	vst.idx.msk $0xffff, v1  }
0xe5: {  	v1 =	vadd.f32 v6, v3;
	[tilespmem:v0+s19+$0x10 ss:$0x1] =	vst.idx.msk $0xffff, v2  }
0xe6: {  	[tilespmem:v0+s19+$0x20 ss:$0x1] =	vst.idx.msk $0xffff, v63  }
0xe7: {  	s18 =	sadd.s32 $0xC80, s18;
	[tilespmem:v0+s19+$0x30 ss:$0x1] =	vst.idx.msk $0xffff, v1  }
0xe8: {  	p0 =	seq.s32 s15, $0x27  }
0xe9: {  	s17 =	smul.u32 @!p0 $0xC80, s15;
	_ =	sdelay $0x1  }
0xea: {  	s16 =	sshll.u32 s16, $0x9;
	s17 =	sshra.s32 @!p0 s17, $0x2  }
0xeb: {  	s18 =	simm.s32 @!p0 $0x190;
	s19 =	simm.s32 @!p0 $0x7D00;
	s17 =	sadd.s32 @!p0 $0x320, s17  }
0xec: {  	[tilespmem:s19], [sflag:$0x1] =	stream.indirect.gather @!p0 [hbm4b:s3+s18], $0x40, s17, s18, $0xb8;
	[tilespmem:$0x1E500] =	vst v63  }
0xed: {  	s16 =	sand.u32 $0x3FFFFE00, s16;
	_ =	swait.ge [sflag:s12], $0x6400  }
0xee: {  	s31 =	sadd.s32 $0x14500, s16;
	[sflag:s12] =	ssyncset.done $0x0  }
0xef: {  	s16 =	simm.s32 $0x0;
	v0 =	vmov s31;
	s17 =	simm.s32 $0xE420;
	[sflag:s12] =	ssyncadd.s32 $0xFFFF9C00  }
.LBB2_7:
0xf0: {  	v1 =	vld [tilespmem:s17+$0x2E0]  }
0xf1: {  	v2 =	vld [tilespmem:s17+$0x2F0]  }
0xf2: {  	v3 =	vld [tilespmem:s17+$0x2A0]  }
0xf3: {  	v4 =	vld [tilespmem:s17+$0x2B0]  }
0xf4: {  	v5 =	vld [tilespmem:s17+$0x260]  }
0xf5: {  	v6 =	vld [tilespmem:s17+$0x270]  }
0xf6: {  	v7 =	vld [tilespmem:s17+$0x220]  }
0xf7: {  	v8 =	vld [tilespmem:s17+$0x230]  }
0xf8: {  	v9 =	vld [tilespmem:s17+$0x1E0]  }
0xf9: {  	v10 =	vld [tilespmem:s17+$0x1F0]  }
0xfa: {  	v11 =	vld [tilespmem:s17+$0x1A0]  }
0xfb: {  	v12 =	vld [tilespmem:s17+$0x1B0]  }
0xfc: {  	v13 =	vld [tilespmem:s17+$0x160]  }
0xfd: {  	v14 =	vld [tilespmem:s17+$0x170]  }
0xfe: {  	v15 =	vld [tilespmem:s17+$0x120]  }
0xff: {  	v16 =	vld [tilespmem:s17+$0x130]  }
0x100: {  	v17 =	vld [tilespmem:s17+$0xE0]  }
0x101: {  	v18 =	vld [tilespmem:s17+$0xF0]  }
0x102: {  	v19 =	vld [tilespmem:s17+$0xA0]  }
0x103: {  	v20 =	vld [tilespmem:s17+$0xB0]  }
0x104: {  	v21 =	vld [tilespmem:s17+$0x60]  }
0x105: {  	v22 =	vld [tilespmem:s17+$0x70]  }
0x106: {  	v23 =	vld [tilespmem:s17+$0x20]  }
0x107: {  	v24 =	vld [tilespmem:s17+$0x30]  }
0x108: {  	v25 =	vld [tilespmem:s17+$0xFFFFFFE0]  }
0x109: {  	v26 =	vld [tilespmem:s17+$0xFFFFFFF0]  }
0x10a: {  	v27 =	vld [tilespmem:s17+$0xFFFFFFA0]  }
0x10b: {  	v28 =	vld [tilespmem:s17+$0xFFFFFFB0]  }
0x10c: {  	v29 =	vld [tilespmem:s17+$0xFFFFFF60]  }
0x10d: {  	v30 =	vld [tilespmem:s17+$0xFFFFFF70]  }
0x10e: {  	v31 =	vld [tilespmem:s17+$0xFFFFFF20]  }
0x10f: {  	v32 =	vld [tilespmem:s17+$0xFFFFFF30]  }
0x110: {  	v33 =	vld [tilespmem:s17+$0xFFFFFEE0]  }
0x111: {  	v34 =	vld [tilespmem:s17+$0xFFFFFEF0]  }
0x112: {  	v35 =	vld [tilespmem:s17+$0xFFFFFEA0]  }
0x113: {  	v36 =	vld [tilespmem:s17+$0xFFFFFEB0]  }
0x114: {  	v37 =	vld [tilespmem:s17+$0xFFFFFE60]  }
0x115: {  	v38 =	vld [tilespmem:s17+$0xFFFFFE70]  }
0x116: {  	v39 =	vld [tilespmem:s17+$0xFFFFFE20]  }
0x117: {  	v40 =	vld [tilespmem:s17+$0xFFFFFE30]  }
0x118: {  	v41 =	vld [tilespmem:s17+$0xFFFFFDE0]  }
0x119: {  	v42 =	vld [tilespmem:s17+$0xFFFFFDF0]  }
0x11a: {  	v43 =	vld [tilespmem:s17+$0xFFFFFDA0]  }
0x11b: {  	v44 =	vld [tilespmem:s17+$0xFFFFFDB0]  }
0x11c: {  	v45 =	vld [tilespmem:s17+$0xFFFFFD60]  }
0x11d: {  	v46 =	vld [tilespmem:s17+$0xFFFFFD70]  }
0x11e: {  	v47 =	vld [tilespmem:s17+$0xFFFFFD20]  }
0x11f: {  	v48 =	vld [tilespmem:s17+$0xFFFFFD30]  }
0x120: {  	v49 =	vld [tilespmem:s17+$0xFFFFFCE0]  }
0x121: {  	v50 =	vld [tilespmem:s17+$0xFFFFFCF0]  }
0x122: {  	v51 =	vld [tilespmem:s17+$0xFFFFFD00]  }
0x123: {  	v52 =	vld [tilespmem:s17+$0xFFFFFD10]  }
0x124: {  	v53 =	vld [tilespmem:s17+$0xFFFFFD40]  }
0x125: {  	v54 =	vld [tilespmem:s17+$0xFFFFFD50]  }
0x126: {  	v55 =	vimm.f32 $0.0e+00;
	v56 =	vld [tilespmem:s17+$0xFFFFFD80]  }
0x127: {  	v57 =	vld [tilespmem:s17+$0xFFFFFD90];
	v49 =	vadd.f32 v49, v55;
	v50 =	vadd.f32 v50, v55  }
0x128: {  	v61 =	vld [tilespmem:s17+$0xFFFFFDC0];
	v51 =	vadd.f32 v51, v55;
	v52 =	vadd.f32 v52, v55  }
0x129: {  	v47 =	vadd.f32 v47, v49;
	v48 =	vadd.f32 v48, v50;
	v49 =	vld [tilespmem:s17+$0xFFFFFDD0]  }
0x12a: {  	v62 =	vadd.f32 v53, v51;
	v63 =	vadd.f32 v54, v52;
	v52 =	vld [tilespmem:s17+$0xFFFFFE00]  }
0x12b: {  	v54 =	vld [tilespmem:s17+$0xFFFFFE10];
	v45 =	vadd.f32 v45, v47;
	v46 =	vadd.f32 v46, v48  }
0x12c: {  	v59 =	vld [tilespmem:s17+$0xFFFFFE40];
	v56 =	vadd.f32 v56, v62;
	v58 =	vadd.f32 v57, v63  }
0x12d: {  	v60 =	vld [tilespmem:s17+$0xFFFFFE50];
	v43 =	vadd.f32 v43, v45;
	v44 =	vadd.f32 v44, v46  }
0x12e: {  	v50 =	vld [tilespmem:s17+$0xFFFFFE90];
	v61 =	vadd.f32 v61, v56;
	v62 =	vadd.f32 v49, v58  }
0x12f: {  	v63 =	vld [tilespmem:s17+$0xFFFFFE80];
	v41 =	vadd.f32 v41, v43;
	v42 =	vadd.f32 v42, v44  }
0x130: {  	v55 =	vld [tilespmem:s17+$0xFFFFFED0];
	v52 =	vadd.f32 v52, v61;
	v53 =	vadd.f32 v54, v62  }
0x131: {  	v54 =	vld [tilespmem:s17+$0xFFFFFEC0];
	v39 =	vadd.f32 v39, v41;
	v40 =	vadd.f32 v40, v42  }
0x132: {  	v58 =	vld [tilespmem:s17+$0xFFFFFF00];
	v56 =	vadd.f32 v59, v52;
	v57 =	vadd.f32 v60, v53  }
0x133: {  	v59 =	vld [tilespmem:s17+$0xFFFFFF10];
	v37 =	vadd.f32 v37, v39;
	v38 =	vadd.f32 v38, v40  }
0x134: {  	v62 =	vld [tilespmem:s17+$0xFFFFFF40];
	v60 =	vadd.f32 v63, v56;
	v61 =	vadd.f32 v50, v57  }
0x135: {  	v63 =	vld [tilespmem:s17+$0xFFFFFF50];
	v35 =	vadd.f32 v35, v37;
	v36 =	vadd.f32 v36, v38  }
0x136: {  	v47 =	vld [tilespmem:s17+$0xFFFFFF80];
	v44 =	vadd.f32 v54, v60;
	v46 =	vadd.f32 v55, v61  }
0x137: {  	v48 =	vld [tilespmem:s17+$0xFFFFFF90];
	v33 =	vadd.f32 v33, v35;
	v34 =	vadd.f32 v34, v36  }
0x138: {  	v51 =	vld [tilespmem:s17+$0xFFFFFFC0];
	v49 =	vadd.f32 v58, v44;
	v50 =	vadd.f32 v59, v46  }
0x139: {  	v52 =	vld [tilespmem:s17+$0xFFFFFFD0];
	v31 =	vadd.f32 v31, v33;
	v32 =	vadd.f32 v32, v34  }
0x13a: {  	v56 =	vld [tilespmem:s17+$0x10];
	v53 =	vadd.f32 v62, v49;
	v54 =	vadd.f32 v63, v50  }
0x13b: {  	v55 =	vld [tilespmem:s17+$0x0];
	v29 =	vadd.f32 v29, v31;
	v30 =	vadd.f32 v30, v32  }
0x13c: {  	v60 =	vld [tilespmem:s17+$0x50];
	v57 =	vadd.f32 v47, v53;
	v58 =	vadd.f32 v48, v54  }
0x13d: {  	v59 =	vld [tilespmem:s17+$0x40];
	v27 =	vadd.f32 v27, v29;
	v28 =	vadd.f32 v28, v30  }
0x13e: {  	v34 =	vld [tilespmem:s17+$0x90];
	v61 =	vadd.f32 v51, v57;
	v62 =	vadd.f32 v52, v58  }
0x13f: {  	v63 =	vld [tilespmem:s17+$0x80];
	v25 =	vadd.f32 v25, v27;
	v26 =	vadd.f32 v26, v28  }
0x140: {  	v39 =	vld [tilespmem:s17+$0xD0];
	v36 =	vadd.f32 v55, v61;
	v37 =	vadd.f32 v56, v62  }
0x141: {  	v38 =	vld [tilespmem:s17+$0xC0];
	v23 =	vadd.f32 v23, v25;
	v24 =	vadd.f32 v24, v26  }
0x142: {  	v43 =	vld [tilespmem:s17+$0x110];
	v40 =	vadd.f32 v59, v36;
	v41 =	vadd.f32 v60, v37  }
0x143: {  	v42 =	vld [tilespmem:s17+$0x100];
	v21 =	vadd.f32 v21, v23;
	v22 =	vadd.f32 v22, v24  }
0x144: {  	v46 =	vld [tilespmem:s17+$0x140];
	v44 =	vadd.f32 v63, v40;
	v45 =	vadd.f32 v34, v41  }
0x145: {  	v47 =	vld [tilespmem:s17+$0x150];
	v19 =	vadd.f32 v19, v21;
	v20 =	vadd.f32 v20, v22  }
0x146: {  	v50 =	vld [tilespmem:s17+$0x180];
	v48 =	vadd.f32 v38, v44;
	v49 =	vadd.f32 v39, v45  }
0x147: {  	v51 =	vld [tilespmem:s17+$0x190];
	v17 =	vadd.f32 v17, v19;
	v18 =	vadd.f32 v18, v20  }
0x148: {  	v54 =	vld [tilespmem:s17+$0x1C0];
	v52 =	vadd.f32 v42, v48;
	v53 =	vadd.f32 v43, v49  }
0x149: {  	v55 =	vld [tilespmem:s17+$0x1D0];
	v15 =	vadd.f32 v15, v17;
	v16 =	vadd.f32 v16, v18  }
0x14a: {  	v58 =	vld [tilespmem:s17+$0x200];
	v56 =	vadd.f32 v46, v52;
	v57 =	vadd.f32 v47, v53  }
0x14b: {  	v13 =	vadd.f32 v13, v15;
	v14 =	vadd.f32 v14, v16;
	v15 =	vld [tilespmem:s17+$0x210]  }
0x14c: {  	v61 =	vld [tilespmem:s17+$0x240];
	v59 =	vadd.f32 v50, v56;
	v60 =	vadd.f32 v51, v57  }
0x14d: {  	v13 =	vadd.f32 v11, v13;
	v12 =	vadd.f32 v12, v14;
	v14 =	vld [tilespmem:s17+$0x250]  }
0x14e: {  	p0 =	por $0x1, $0x1;
	v16 =	vadd.f32 v54, v59;
	v11 =	vld [tilespmem:s17+$0x280];
	v17 =	vadd.f32 v55, v60  }
.Ltmp3:
0x14f: {  	v13 =	vadd.f32 v9, v13;
	v12 =	vadd.f32 v10, v12;
	v10 =	vld [tilespmem:s17+$0x290];
	(pc) =	sbr.rel @!p0 .LBB2_9-.Ltmp3, $4  }
0x150: {  	v16 =	vadd.f32 v58, v16;
	v9 =	vld [tilespmem:s17+$0x2C0];
	v15 =	vadd.f32 v15, v17  }
0x151: {  	v62 =	vadd.f32 v7, v13;
	v63 =	vadd.f32 v8, v12;
	v8 =	vld [tilespmem:s17+$0x2D0]  }
0x152: {  	v13 =	vadd.f32 v61, v16;
	v7 =	vld [tilespmem:s17+$0x300];
	v12 =	vadd.f32 v14, v15  }
0x153: {  	s20 =	simm.s32 $0x0;
	s18 =	sadd.s32 $0x640, s17;
	v14 =	vadd.f32 v5, v62;
	v5 =	vadd.f32 v6, v63;
	v6 =	vld [tilespmem:s17+$0x310]  }
.LBB2_8:
0x154: {  	v15 =	vld [tilespmem:s18+$0x2E0];
	v11 =	vadd.f32 v11, v13;
	v10 =	vadd.f32 v10, v12;
	s19 =	smov.u32 s20  }
0x155: {  	v12 =	vld [tilespmem:s18+$0x2F0];
	v13 =	vadd.f32 v3, v14;
	v5 =	vadd.f32 v4, v5  }
0x156: {  	v3 =	vld [tilespmem:s18+$0x2A0];
	v9 =	vadd.f32 v9, v11;
	v8 =	vadd.f32 v8, v10  }
0x157: {  	v4 =	vld [tilespmem:s18+$0x2B0];
	v31 =	vadd.f32 v1, v13;
	v32 =	vadd.f32 v2, v5  }
0x158: {  	v5 =	vld [tilespmem:s18+$0x260];
	v33 =	vadd.f32 v7, v9;
	v34 =	vadd.f32 v6, v8  }
0x159: {  	v6 =	vld [tilespmem:s18+$0x270];
	v1 =	vmov v15  }
0x15a: {  	v7 =	vld [tilespmem:s18+$0x220];
	v2 =	vmov v12  }
0x15b: {  	v8 =	vld [tilespmem:s18+$0x230]  }
0x15c: {  	v9 =	vld [tilespmem:s18+$0x1E0]  }
0x15d: {  	v10 =	vld [tilespmem:s18+$0x1F0]  }
0x15e: {  	v11 =	vld [tilespmem:s18+$0x1A0]  }
0x15f: {  	v12 =	vld [tilespmem:s18+$0x1B0]  }
0x160: {  	v13 =	vld [tilespmem:s18+$0x160]  }
0x161: {  	v14 =	vld [tilespmem:s18+$0x170]  }
0x162: {  	v15 =	vld [tilespmem:s18+$0x120]  }
0x163: {  	v16 =	vld [tilespmem:s18+$0x130]  }
0x164: {  	v17 =	vld [tilespmem:s18+$0xE0]  }
0x165: {  	v18 =	vld [tilespmem:s18+$0xF0]  }
0x166: {  	v19 =	vld [tilespmem:s18+$0xA0]  }
0x167: {  	v20 =	vld [tilespmem:s18+$0xB0]  }
0x168: {  	v21 =	vld [tilespmem:s18+$0x60]  }
0x169: {  	v22 =	vld [tilespmem:s18+$0x70]  }
0x16a: {  	v23 =	vld [tilespmem:s18+$0x20]  }
0x16b: {  	v24 =	vld [tilespmem:s18+$0x30]  }
0x16c: {  	v25 =	vld [tilespmem:s18+$0xFFFFFFE0]  }
0x16d: {  	v26 =	vld [tilespmem:s18+$0xFFFFFFF0]  }
0x16e: {  	v27 =	vld [tilespmem:s18+$0xFFFFFFA0]  }
0x16f: {  	v28 =	vld [tilespmem:s18+$0xFFFFFFB0]  }
0x170: {  	v29 =	vld [tilespmem:s18+$0xFFFFFF60]  }
0x171: {  	v30 =	vld [tilespmem:s18+$0xFFFFFF70]  }
0x172: {  	v35 =	vld [tilespmem:s18+$0xFFFFFF20]  }
0x173: {  	v36 =	vld [tilespmem:s18+$0xFFFFFF30]  }
0x174: {  	v37 =	vld [tilespmem:s18+$0xFFFFFEE0]  }
0x175: {  	v38 =	vld [tilespmem:s18+$0xFFFFFEF0]  }
0x176: {  	v39 =	vld [tilespmem:s18+$0xFFFFFEA0]  }
0x177: {  	v40 =	vld [tilespmem:s18+$0xFFFFFEB0]  }
0x178: {  	v41 =	vld [tilespmem:s18+$0xFFFFFE60]  }
0x179: {  	v42 =	vld [tilespmem:s18+$0xFFFFFE70]  }
0x17a: {  	v43 =	vld [tilespmem:s18+$0xFFFFFE20]  }
0x17b: {  	v44 =	vld [tilespmem:s18+$0xFFFFFE30]  }
0x17c: {  	v45 =	vld [tilespmem:s18+$0xFFFFFDE0]  }
0x17d: {  	v46 =	vld [tilespmem:s18+$0xFFFFFDF0]  }
0x17e: {  	v47 =	vld [tilespmem:s18+$0xFFFFFDA0]  }
0x17f: {  	v48 =	vld [tilespmem:s18+$0xFFFFFDB0]  }
0x180: {  	v49 =	vld [tilespmem:s18+$0xFFFFFD60]  }
0x181: {  	v50 =	vld [tilespmem:s18+$0xFFFFFD70]  }
0x182: {  	v51 =	vld [tilespmem:s18+$0xFFFFFD20]  }
0x183: {  	v52 =	vld [tilespmem:s18+$0xFFFFFD30]  }
0x184: {  	v53 =	vld [tilespmem:s18+$0xFFFFFCE0]  }
0x185: {  	v54 =	vld [tilespmem:s18+$0xFFFFFCF0]  }
0x186: {  	v55 =	vld [tilespmem:s18+$0xFFFFFD00]  }
0x187: {  	s19 =	sadd.s32 $0x19, s20;
	v56 =	vld [tilespmem:s18+$0xFFFFFD10]  }
0x188: {  	p0 =	slt.u32 s19, s20;
	v57 =	vld [tilespmem:s18+$0xFFFFFD40]  }
0x189: {  	v58 =	vld [tilespmem:s18+$0xFFFFFD50]  }
0x18a: {  	v59 =	vld [tilespmem:s18+$0xFFFFFD80]  }
0x18b: {  	v31 =	vadd.f32 v53, v31;
	v32 =	vadd.f32 v54, v32;
	v53 =	vld [tilespmem:s18+$0xFFFFFD90]  }
0x18c: {  	v33 =	vadd.f32 v55, v33;
	v34 =	vadd.f32 v56, v34;
	v54 =	vld [tilespmem:s18+$0xFFFFFDC0]  }
0x18d: {  	v31 =	vadd.f32 v51, v31;
	v32 =	vadd.f32 v52, v32;
	v51 =	vld [tilespmem:s18+$0xFFFFFDD0]  }
0x18e: {  	v33 =	vadd.f32 v57, v33;
	v34 =	vadd.f32 v58, v34;
	v52 =	vld [tilespmem:s18+$0xFFFFFE00]  }
0x18f: {  	v31 =	vadd.f32 v49, v31;
	v32 =	vadd.f32 v50, v32;
	v49 =	vld [tilespmem:s18+$0xFFFFFE10]  }
0x190: {  	v33 =	vadd.f32 v59, v33;
	v34 =	vadd.f32 v53, v34;
	v50 =	vld [tilespmem:s18+$0xFFFFFE40]  }
0x191: {  	v31 =	vadd.f32 v47, v31;
	v32 =	vadd.f32 v48, v32;
	v47 =	vld [tilespmem:s18+$0xFFFFFE50]  }
0x192: {  	v33 =	vadd.f32 v54, v33;
	v34 =	vadd.f32 v51, v34;
	v48 =	vld [tilespmem:s18+$0xFFFFFE80]  }
0x193: {  	v31 =	vadd.f32 v45, v31;
	v32 =	vadd.f32 v46, v32;
	v45 =	vld [tilespmem:s18+$0xFFFFFE90]  }
0x194: {  	v33 =	vadd.f32 v52, v33;
	v34 =	vadd.f32 v49, v34;
	v46 =	vld [tilespmem:s18+$0xFFFFFEC0]  }
0x195: {  	v31 =	vadd.f32 v43, v31;
	v32 =	vadd.f32 v44, v32;
	v43 =	vld [tilespmem:s18+$0xFFFFFED0]  }
0x196: {  	v33 =	vadd.f32 v50, v33;
	v34 =	vadd.f32 v47, v34;
	v44 =	vld [tilespmem:s18+$0xFFFFFF00]  }
0x197: {  	v31 =	vadd.f32 v41, v31;
	v32 =	vadd.f32 v42, v32;
	v41 =	vld [tilespmem:s18+$0xFFFFFF10]  }
0x198: {  	v33 =	vadd.f32 v48, v33;
	v34 =	vadd.f32 v45, v34;
	v42 =	vld [tilespmem:s18+$0xFFFFFF40]  }
0x199: {  	v31 =	vadd.f32 v39, v31;
	v32 =	vadd.f32 v40, v32;
	v39 =	vld [tilespmem:s18+$0xFFFFFF50]  }
0x19a: {  	v33 =	vadd.f32 v46, v33;
	v34 =	vadd.f32 v43, v34;
	v40 =	vld [tilespmem:s18+$0xFFFFFF80]  }
0x19b: {  	v31 =	vadd.f32 v37, v31;
	v32 =	vadd.f32 v38, v32;
	v37 =	vld [tilespmem:s18+$0xFFFFFF90]  }
0x19c: {  	v33 =	vadd.f32 v44, v33;
	v34 =	vadd.f32 v41, v34;
	v38 =	vld [tilespmem:s18+$0xFFFFFFC0]  }
0x19d: {  	v31 =	vadd.f32 v35, v31;
	v32 =	vadd.f32 v36, v32;
	v35 =	vld [tilespmem:s18+$0xFFFFFFD0]  }
0x19e: {  	v33 =	vadd.f32 v42, v33;
	v34 =	vadd.f32 v39, v34;
	v36 =	vld [tilespmem:s18+$0x0]  }
0x19f: {  	v29 =	vadd.f32 v29, v31;
	v30 =	vadd.f32 v30, v32;
	v31 =	vld [tilespmem:s18+$0x10]  }
0x1a0: {  	v32 =	vadd.f32 v40, v33;
	v33 =	vadd.f32 v37, v34;
	v34 =	vld [tilespmem:s18+$0x40]  }
0x1a1: {  	v27 =	vadd.f32 v27, v29;
	v28 =	vadd.f32 v28, v30;
	v29 =	vld [tilespmem:s18+$0x50]  }
0x1a2: {  	v30 =	vadd.f32 v38, v32;
	v32 =	vadd.f32 v35, v33;
	v33 =	vld [tilespmem:s18+$0x80]  }
0x1a3: {  	v25 =	vadd.f32 v25, v27;
	v26 =	vadd.f32 v26, v28;
	v27 =	vld [tilespmem:s18+$0x90]  }
0x1a4: {  	v28 =	vadd.f32 v36, v30;
	v30 =	vadd.f32 v31, v32;
	v31 =	vld [tilespmem:s18+$0xC0]  }
0x1a5: {  	v23 =	vadd.f32 v23, v25;
	v24 =	vadd.f32 v24, v26;
	v25 =	vld [tilespmem:s18+$0xD0]  }
0x1a6: {  	v26 =	vadd.f32 v34, v28;
	v28 =	vadd.f32 v29, v30;
	v29 =	vld [tilespmem:s18+$0x100]  }
0x1a7: {  	v21 =	vadd.f32 v21, v23;
	v22 =	vadd.f32 v22, v24;
	v23 =	vld [tilespmem:s18+$0x110]  }
0x1a8: {  	v24 =	vadd.f32 v33, v26;
	v26 =	vadd.f32 v27, v28;
	v27 =	vld [tilespmem:s18+$0x140]  }
0x1a9: {  	v19 =	vadd.f32 v19, v21;
	v20 =	vadd.f32 v20, v22;
	v21 =	vld [tilespmem:s18+$0x150]  }
0x1aa: {  	v22 =	vadd.f32 v31, v24;
	v24 =	vadd.f32 v25, v26;
	v25 =	vld [tilespmem:s18+$0x180]  }
0x1ab: {  	v17 =	vadd.f32 v17, v19;
	v18 =	vadd.f32 v18, v20;
	v19 =	vld [tilespmem:s18+$0x190]  }
0x1ac: {  	v20 =	vadd.f32 v29, v22;
	v22 =	vadd.f32 v23, v24;
	v23 =	vld [tilespmem:s18+$0x1C0]  }
0x1ad: {  	v15 =	vadd.f32 v15, v17;
	v16 =	vadd.f32 v16, v18;
	v17 =	vld [tilespmem:s18+$0x1D0]  }
0x1ae: {  	v18 =	vadd.f32 v27, v20;
	v20 =	vadd.f32 v21, v22;
	v21 =	vld [tilespmem:s18+$0x200]  }
0x1af: {  	v13 =	vadd.f32 v13, v15;
	v14 =	vadd.f32 v14, v16;
	v15 =	vld [tilespmem:s18+$0x210]  }
0x1b0: {  	v16 =	vadd.f32 v25, v18;
	v18 =	vadd.f32 v19, v20;
	v19 =	vld [tilespmem:s18+$0x240]  }
0x1b1: {  	v13 =	vadd.f32 v11, v13;
	v12 =	vadd.f32 v12, v14;
	v14 =	vld [tilespmem:s18+$0x250]  }
0x1b2: {  	v16 =	vadd.f32 v23, v16;
	v17 =	vadd.f32 v17, v18;
	v11 =	vld [tilespmem:s18+$0x280]  }
.Ltmp4:
0x1b3: {  	v13 =	vadd.f32 v9, v13;
	v12 =	vadd.f32 v10, v12;
	v10 =	vld [tilespmem:s18+$0x290];
	(pc) =	sbr.rel @p0 .LBB2_8-.Ltmp4, $4  }
0x1b4: {  	v16 =	vadd.f32 v21, v16;
	v15 =	vadd.f32 v15, v17;
	v9 =	vld [tilespmem:s18+$0x2C0]  }
0x1b5: {  	v17 =	vadd.f32 v7, v13;
	v18 =	vadd.f32 v8, v12;
	v8 =	vld [tilespmem:s18+$0x2D0]  }
0x1b6: {  	v13 =	vadd.f32 v19, v16;
	v12 =	vadd.f32 v14, v15;
	v7 =	vld [tilespmem:s18+$0x300]  }
0x1b7: {  	s20 =	smov.u32 s19;
	v14 =	vadd.f32 v5, v17;
	v5 =	vadd.f32 v6, v18;
	v6 =	vld [tilespmem:s18+$0x310];
	s18 =	sadd.s32 $0x640, s18  }
.LBB2_9:
0x1b8: {  	_ = 	snop  }
0x1b9: {  	v11 =	vadd.f32 v11, v13;
	v3 =	vadd.f32 v3, v14  }
0x1ba: {  	v10 =	vadd.f32 v10, v12;
	s18 =	sshll.u32 s16, $0x6;
	s16 =	sadd.s32 $0x1, s16;
	v4 =	vadd.f32 v4, v5  }
0x1bb: {  	p0 =	sne.s32 s16, $0x8;
	v62 =	vadd.f32 v9, v11;
	v1 =	vadd.f32 v1, v3  }
.Ltmp5:
0x1bc: {  	s18 =	sand.u32 $0x3FFFFFC0, s18;
	v3 =	vadd.f32 v8, v10;
	v2 =	vadd.f32 v2, v4;
	(pc) =	sbr.rel @p0 .LBB2_7-.Ltmp5, $4  }
0x1bd: {  	v63 =	vadd.f32 v7, v62;
	[tilespmem:v0+s18+$0x0 ss:$0x1] =	vst.idx.msk $0xffff, v1  }
0x1be: {  	v1 =	vadd.f32 v6, v3;
	[tilespmem:v0+s18+$0x10 ss:$0x1] =	vst.idx.msk $0xffff, v2  }
0x1bf: {  	[tilespmem:v0+s18+$0x20 ss:$0x1] =	vst.idx.msk $0xffff, v63  }
0x1c0: {  	s17 =	sadd.s32 $0xC80, s17;
	[tilespmem:v0+s18+$0x30 ss:$0x1] =	vst.idx.msk $0xffff, v1  }
0x1c1: {  	s15 =	sadd.s32 $0x1, s15  }
0x1c2: {  	p0 =	sne.s32 s15, $0x28  }
.Ltmp6:
0x1c3: {  	_ = 	snop;
	(pc) =	sbr.rel @p0 .LBB2_2-.Ltmp6, $1  }
0x1c4: {  	_ =	sdelay $0x3  }
0x1c5: {  	s14 =	sadd.s32 $0x1, s14  }
0x1c6: {  	p0 =	sne.s32 s14, s6  }
.Ltmp7:
0x1c7: {  	_ = 	snop;
	(pc) =	sbr.rel @p0 .LBB2_1-.Ltmp7, $4  }
0x1c8: {  	[hbm4b:s5+s2] =	stream.linear.scatter [tilespmem:s13], [sflag:$0x3], $0xA000, $0x38;
	[tilespmem:$0x1E500] =	vst v63  }
0x1c9: {  	_ =	swait.ge [sflag:s7], $0xA000  }
0x1ca: {  	[sflag:s7] =	ssyncset.done $0x0  }
0x1cb: {  	[sflag:s7] =	ssyncadd.s32 $0xFFFF6000  }
0x1cc: {  	_ =	sfence.sel $0x180000  }
0x1cd: {  	[bflag:$0x0] =	sbarrier.arrive $0xFFFF  }
0x1ce: {  	p0 =	sne.s32 s0, $0x0;
	_ =	strace $0x90000047  }
0x1cf: {  	s0 =	sadd.s32 @!p0 $0x100000, s1;
	[bflag:$0x2] =	sbarrier.arrive $0xFFFF  }
0x1d0: {  	[sflag:s0] =	ssyncadd.tile.s32 @!p0 $0x1;
	_ =	shalt  }
.Lfunc_end2:
_tile_overlayer_lowered:
.L_overlay_start_2:
0x1d1: {  	(tag) =	ssettag $0x2  }
0x1d2: {  	s0 =	rddreg [dreg:$0x0];
	s2 =	stileid.u32  }
0x1d3: {  	s1 =	rddreg [dreg:$0x1];
	p0 =	sne.s32 s2, $0x0  }
0x1d4: {  	s3 =	rddreg [dreg:$0x2];
	[bflag:$0x3] =	sbarrier.arrive $0xFFFF;
	s2 =	simm.s32 @!p0 $0x1C03  }
0x1d5: {  	[timem:s3], [sflag:s2] =	dma.local @!p0 [hbm:s0], s1  }
0x1d6: {  	s0 =	simm.s32 @!p0 $0x3  }
0x1d7: {  	_ =	swait.ge @!p0 [sflag:s0], s1  }
0x1d8: {  	s1 =	ssub.s32 @!p0 $0x0, s1;
	[sflag:s0] =	ssyncset.done @!p0 $0x0  }
0x1d9: {  	[sflag:s0] =	ssyncadd.s32 @!p0 s1  }
0x1da: {  	[bflag:$0x3] =	sbarrier.arrive $0xFFFF  }
0x1db: {  	_ =	shalt  }

</sc_bundles>
